<compile_context>
chip_gen: v7x
topology: tpu7x:2x2x1
jax: 0.10.2.dev20260603
libtpu: 0.0.44.dev20260713+nightly
codegen_flags: <defaults>
</compile_context>

<pallas_src>
import functools

import jax
import jax.numpy as jnp
from jax import lax
from jax.experimental import pallas as pl
from jax.experimental.pallas import tpu as pltpu
from jax.experimental.pallas import tpu_sc as plsc

_BLOCK_B = 2048

_B = 4096
_L = 200
_E = 64
_NW = 32
_SENT_PER_W = _B // _NW
_CH = 8
_CHN = _SENT_PER_W // _CH
_IDXC = _CH * _L


def _embed_bag_sc(sentences_flat, emb_table):
    mesh = plsc.VectorSubcoreMesh(core_axis_name="c", subcore_axis_name="s")

    @functools.partial(
        pl.kernel,
        mesh=mesh,
        compiler_params=pltpu.CompilerParams(use_tc_tiling_on_sc=False),
        out_type=jax.ShapeDtypeStruct((_B, _E), jnp.float32),
        scratch_types=[
            pltpu.VMEM((_IDXC,), jnp.int32),
            pltpu.VMEM((_IDXC, _E), jnp.float32),
            pltpu.VMEM((_CH, _E), jnp.float32),
            pltpu.SemaphoreType.DMA,
        ],
    )
    def k(idx_hbm, table_hbm, out_hbm, idx_v, rows_v, acc_v, sem):
        wid = lax.axis_index("s") * 2 + lax.axis_index("c")

        def chunk_body(c, carry):
            base = (wid * _SENT_PER_W + c * _CH) * _L
            pltpu.sync_copy(idx_hbm.at[pl.ds(base, _IDXC)], idx_v)
            pltpu.async_copy(table_hbm.at[idx_v], rows_v, sem).wait()
            for s in range(_CH):
                for kk in range(_E // 16):
                    acc_v[s, pl.ds(kk * 16, 16)] = jnp.zeros((16,), jnp.float32)

            def row_body(j, rc):
                for s in range(_CH):
                    for kk in range(_E // 16):
                        sl = pl.ds(kk * 16, 16)
                        acc_v[s, sl] = acc_v[s, sl] + rows_v[s * _L + j, sl]
                return rc

            lax.fori_loop(0, _L, row_body, 0)
            for s in range(_CH):
                for kk in range(_E // 16):
                    sl = pl.ds(kk * 16, 16)
                    acc_v[s, sl] = acc_v[s, sl] * (1.0 / _L)
            out_base = wid * _SENT_PER_W + c * _CH
            pltpu.sync_copy(acc_v, out_hbm.at[pl.ds(out_base, _CH)])
            return carry

        lax.fori_loop(0, _CHN, chunk_body, 0)

    return k(sentences_flat, emb_table)


def _mm_t(a, b):
    return jax.lax.dot_general(
        a, b, dimension_numbers=(((1,), (1,)), ((), ())),
        preferred_element_type=jnp.float32)


def _mlp_block(x_ref, w1_ref, b1_ref, w2_ref, b2_ref, o_ref):
    x = x_ref[...].astype(jnp.bfloat16)
    h = _mm_t(x, w1_ref[...].astype(jnp.bfloat16))
    h = jnp.maximum(h + b1_ref[...], 0.0).astype(jnp.bfloat16)
    o_ref[...] = _mm_t(h, w2_ref[...].astype(jnp.bfloat16)) + b2_ref[...]


def _mlp(x, W1, b1, W2, b2):
    B, D = x.shape
    H2 = W1.shape[0]
    H = W2.shape[0]
    return pl.pallas_call(
        _mlp_block,
        grid=(B // _BLOCK_B,),
        in_specs=[
            pl.BlockSpec((_BLOCK_B, D), lambda i: (i, 0)),
            pl.BlockSpec((H2, D), lambda i: (0, 0)),
            pl.BlockSpec((1, H2), lambda i: (0, 0)),
            pl.BlockSpec((H, H2), lambda i: (0, 0)),
            pl.BlockSpec((1, H), lambda i: (0, 0)),
        ],
        out_specs=pl.BlockSpec((_BLOCK_B, H), lambda i: (i, 0)),
        out_shape=jax.ShapeDtypeStruct((B, H), jnp.float32),
    )(x, W1, b1.reshape(1, H2), W2, b2.reshape(1, H))


def kernel(sentences, mention_rep, emb_table, W1, b1, W2, b2):
    idx = sentences.reshape(-1).astype(jnp.int32)
    embed_bag = _embed_bag_sc(idx, emb_table)
    out = _mlp(mention_rep.astype(jnp.float32), W1, b1, W2, b2)
    return out + 0.0 * jnp.sum(embed_bag) * 0.0

# --- scband reference (transcript-rebuilt; emitter-appended) ---
"""Pipeline reference for scband-mlpencoder-26688926777776 (READ-ONLY COPY).

The authoritative reference and input builder live on the scoring server;
editing this copy changes nothing except your own understanding.
"""

import jax, jax.numpy as jnp
import numpy as np

VOCAB = 1000000
EMB_DIM = 64
BATCH = 4096
HIST = 200
MENTION_DIM = 128
HIDDEN = 128

def setup_inputs(seed: int = 0) -> dict:
    key = jax.random.key(seed)
    k1, k2, k3, k4, k5 = jax.random.split(key, 5)
    sentences = jax.random.randint(k1, (BATCH, HIST), 0, VOCAB)
    mention_rep = jax.random.normal(k2, (BATCH, MENTION_DIM), dtype=jnp.float32)
    # frozen pretrained embedding table
    emb_table = jax.random.normal(k3, (VOCAB, EMB_DIM), dtype=jnp.float32) * 0.02
    # lin1: mention_dim -> hidden*2 ; lin2: hidden*2 -> hidden (torch Linear convention: W[out,in])
    W1 = jax.random.normal(k4, (HIDDEN * 2, MENTION_DIM), dtype=jnp.float32) * (1.0 / np.sqrt(MENTION_DIM))
    b1 = jnp.zeros((HIDDEN * 2,), dtype=jnp.float32)
    W2 = jax.random.normal(k5, (HIDDEN, HIDDEN * 2), dtype=jnp.float32) * (1.0 / np.sqrt(HIDDEN * 2))
    b2 = jnp.zeros((HIDDEN,), dtype=jnp.float32)
    return {"sentences": sentences, "mention_rep": mention_rep, "emb_table": emb_table,
            "W1": W1, "b1": b1, "W2": W2, "b2": b2}

def reference(sentences, mention_rep, emb_table, W1, b1, W2, b2):
    # faithful to torch forward: per-sentence embedding gather + mean (embed_bag),
    # which the original forward computes but never uses in the returned value.
    sent_emb = jnp.take(emb_table, sentences, axis=0)      # [B, L, emb_dim]
    embed_bag = jnp.mean(sent_emb, axis=1)                 # [B, emb_dim] (unused, as in torch)
    lin1_out = mention_rep.astype(jnp.float32) @ W1.T + b1
    lin1_out = jnp.maximum(lin1_out, 0.0)
    lin2_out = lin1_out @ W2.T + b2
    # keep embed_bag alive so the gather is not trivially eliminated
    return lin2_out + 0.0 * jnp.sum(embed_bag) * 0.0

if __name__ == "__main__":
    import jax
    _d = setup_inputs()
    print(jax.jit(kernel)(*tuple(_d.values())))

</pallas_src>

<mosaic_0001>
#map = affine_map<(d0, d1) -> (0)>
#map1 = affine_map<(d0, d1) -> (0, 0)>
module attributes {stable_mosaic.version = 14 : i64} {
  func.func @k(%arg0: i32, %arg1: i32, %arg2: memref<819200xi32, #tpu.memory_space<hbm>>, %arg3: memref<1000000x64xf32, #tpu.memory_space<hbm>>, %arg4: memref<4096x64xf32, #tpu.memory_space<hbm>>, %arg5: memref<1600xi32, #tpu.memory_space<vmem>>, %arg6: memref<1600x64xf32, #tpu.memory_space<vmem>>, %arg7: memref<8x64xf32, #tpu.memory_space<vmem>>, %arg8: memref<!tpu.dma_semaphore, #tpu.memory_space<semaphore_mem>>) attributes {dimension_semantics = [#tpu.dimension_semantics<core_parallel>, #tpu.dimension_semantics<subcore_parallel>], iteration_bounds = array<i64: 2, 16>, scalar_prefetch = 0 : i64, scratch_operands = 4 : i64, tpu.core_type = #tpu.core_type<sc_vector_subcore>, window_params = [{transform_indices = #map}, {transform_indices = #map1}, {transform_indices = #map1}]} {
    %mul3A = arith.constant 2 : i32
    %mul3A_0 = arith.muli %arg1, %mul3A : i32
    %add3A = arith.addi %mul3A_0, %arg0 : i32
    %scan3A = arith.constant 0 : i32
    %scan3A_1 = arith.constant 0 : i32
    %scan3A_2 = arith.constant 16 : i32
    %scan3A_3 = arith.addi %scan3A_1, %scan3A_2 : i32
    %scan3A_4 = arith.constant 1 : i32
    scf.for %scan3A_6 = %scan3A_1 to %scan3A_3 step %scan3A_4  : i32 {
      %mul3A_7 = arith.constant 128 : i32
      %mul3A_8 = arith.muli %add3A, %mul3A_7 : i32
      %mul3A_9 = arith.constant 8 : i32
      %mul3A_10 = arith.muli %scan3A_6, %mul3A_9 : i32
      %add3A_11 = arith.addi %mul3A_8, %mul3A_10 : i32
      %mul3A_12 = arith.constant 200 : i32
      %mul3A_13 = arith.muli %add3A_11, %mul3A_12 : i32
      "tpu.region"() ({
        %run_scoped3A = tpu.sem_alloc : memref<!tpu.dma_semaphore, #tpu.memory_space<semaphore_mem>>
        %dma_start3A_730 = tpu.memref_slice %arg2[%mul3A_13] : memref<819200xi32, #tpu.memory_space<hbm>> -> memref<1600xi32, #tpu.memory_space<hbm>>
        %dma_start3A_731 = tpu.memref_slice %arg2[%mul3A_13] : memref<819200xi32, #tpu.memory_space<hbm>> -> memref<1600xi32, #tpu.memory_space<hbm>>
        tpu.enqueue_dma source(%dma_start3A_731 : memref<1600xi32, #tpu.memory_space<hbm>>) target(%arg5 : memref<1600xi32, #tpu.memory_space<vmem>>) target_semaphore(%run_scoped3A : memref<!tpu.dma_semaphore, #tpu.memory_space<semaphore_mem>>)
        %dma_wait3A_732 = tpu.memref_slice %arg2[%mul3A_13] : memref<819200xi32, #tpu.memory_space<hbm>> -> memref<1600xi32, #tpu.memory_space<hbm>>
        %dma_wait3A_733 = tpu.memref_slice %arg2[%mul3A_13] : memref<819200xi32, #tpu.memory_space<hbm>> -> memref<1600xi32, #tpu.memory_space<hbm>>
        tpu.wait_dma2 semaphore(%run_scoped3A : memref<!tpu.dma_semaphore, #tpu.memory_space<semaphore_mem>>) src(%dma_wait3A_733 : memref<1600xi32, #tpu.memory_space<hbm>>) dst(%arg5 : memref<1600xi32, #tpu.memory_space<vmem>>)
        tpu.yield
      }) : () -> ()
      %dma_start3A = arith.constant 0 : i32
      %dma_start3A_14 = arith.constant 0 : i32
      %dma_start3A_15 = tpu.memref_slice %arg3[%dma_start3A, %dma_start3A_14] : memref<1000000x64xf32, #tpu.memory_space<hbm>> -> memref<1000000x64xf32, #tpu.memory_space<hbm>>
      tpu.enqueue_indirect_dma source(%dma_start3A_15 : memref<1000000x64xf32, #tpu.memory_space<hbm>>) target(%arg6 : memref<1600x64xf32, #tpu.memory_space<vmem>>) offsets(%arg5 : memref<1600xi32, #tpu.memory_space<vmem>>) semaphore(%arg8 : memref<!tpu.dma_semaphore, #tpu.memory_space<semaphore_mem>>)
      %dma_wait3A = arith.constant 0 : i32
      %dma_wait3A_16 = arith.constant 0 : i32
      %dma_wait3A_17 = tpu.memref_slice %arg3[%dma_wait3A, %dma_wait3A_16] : memref<1000000x64xf32, #tpu.memory_space<hbm>> -> memref<1000000x64xf32, #tpu.memory_space<hbm>>
      tpu.wait_indirect_dma semaphore(%arg8 : memref<!tpu.dma_semaphore, #tpu.memory_space<semaphore_mem>>) src(%dma_wait3A_17 : memref<1000000x64xf32, #tpu.memory_space<hbm>>) dst(%arg6 : memref<1600x64xf32, #tpu.memory_space<vmem>>)
      %broadcast_in_dim3A = arith.constant 0.000000e+00 : f32
      %broadcast_in_dim3A_18 = vector.broadcast %broadcast_in_dim3A : f32 to vector<16xf32>
      %swap3A = arith.constant 0 : i32
      %swap3A_19 = arith.index_cast %swap3A : i32 to index
      %swap3A_20 = arith.constant 0 : index
      %swap3A_21 = tpu.vector_load %arg7[%swap3A_19, %swap3A_20] {strides = array<i32>} : memref<8x64xf32, #tpu.memory_space<vmem>>, vector<1x16xf32>,
      %swap3A_22 = vector.shape_cast %swap3A_21 : vector<1x16xf32> to vector<16xf32>
      %swap3A_23 = vector.shape_cast %broadcast_in_dim3A_18 : vector<16xf32> to vector<1x16xf32>
      tpu.vector_store %arg7[%swap3A_19, %swap3A_20], %swap3A_23 {strides = array<i32>} : memref<8x64xf32, #tpu.memory_space<vmem>>, vector<1x16xf32>,
      %broadcast_in_dim3A_24 = arith.constant 0.000000e+00 : f32
      %broadcast_in_dim3A_25 = vector.broadcast %broadcast_in_dim3A_24 : f32 to vector<16xf32>
      %swap3A_26 = arith.constant 0 : i32
      %swap3A_27 = arith.index_cast %swap3A_26 : i32 to index
      %swap3A_28 = arith.constant 16 : index
      %swap3A_29 = tpu.vector_load %arg7[%swap3A_27, %swap3A_28] {strides = array<i32>} : memref<8x64xf32, #tpu.memory_space<vmem>>, vector<1x16xf32>,
      %swap3A_30 = vector.shape_cast %swap3A_29 : vector<1x16xf32> to vector<16xf32>
      %swap3A_31 = vector.shape_cast %broadcast_in_dim3A_25 : vector<16xf32> to vector<1x16xf32>
      tpu.vector_store %arg7[%swap3A_27, %swap3A_28], %swap3A_31 {strides = array<i32>} : memref<8x64xf32, #tpu.memory_space<vmem>>, vector<1x16xf32>,
      %broadcast_in_dim3A_32 = arith.constant 0.000000e+00 : f32
      %broadcast_in_dim3A_33 = vector.broadcast %broadcast_in_dim3A_32 : f32 to vector<16xf32>
      %swap3A_34 = arith.constant 0 : i32
      %swap3A_35 = arith.index_cast %swap3A_34 : i32 to index
      %swap3A_36 = arith.constant 32 : index
      %swap3A_37 = tpu.vector_load %arg7[%swap3A_35, %swap3A_36] {strides = array<i32>} : memref<8x64xf32, #tpu.memory_space<vmem>>, vector<1x16xf32>,
      %swap3A_38 = vector.shape_cast %swap3A_37 : vector<1x16xf32> to vector<16xf32>
      %swap3A_39 = vector.shape_cast %broadcast_in_dim3A_33 : vector<16xf32> to vector<1x16xf32>
      tpu.vector_store %arg7[%swap3A_35, %swap3A_36], %swap3A_39 {strides = array<i32>} : memref<8x64xf32, #tpu.memory_space<vmem>>, vector<1x16xf32>,
      %broadcast_in_dim3A_40 = arith.constant 0.000000e+00 : f32
      %broadcast_in_dim3A_41 = vector.broadcast %broadcast_in_dim3A_40 : f32 to vector<16xf32>
      %swap3A_42 = arith.constant 0 : i32
      %swap3A_43 = arith.index_cast %swap3A_42 : i32 to index
      %swap3A_44 = arith.constant 48 : index
      %swap3A_45 = tpu.vector_load %arg7[%swap3A_43, %swap3A_44] {strides = array<i32>} : memref<8x64xf32, #tpu.memory_space<vmem>>, vector<1x16xf32>,
      %swap3A_46 = vector.shape_cast %swap3A_45 : vector<1x16xf32> to vector<16xf32>
      %swap3A_47 = vector.shape_cast %broadcast_in_dim3A_41 : vector<16xf32> to vector<1x16xf32>
      tpu.vector_store %arg7[%swap3A_43, %swap3A_44], %swap3A_47 {strides = array<i32>} : memref<8x64xf32, #tpu.memory_space<vmem>>, vector<1x16xf32>,
      %broadcast_in_dim3A_48 = arith.constant 0.000000e+00 : f32
      %broadcast_in_dim3A_49 = vector.broadcast %broadcast_in_dim3A_48 : f32 to vector<16xf32>
      %swap3A_50 = arith.constant 1 : i32
      %swap3A_51 = arith.index_cast %swap3A_50 : i32 to index
      %swap3A_52 = arith.constant 0 : index
      %swap3A_53 = tpu.vector_load %arg7[%swap3A_51, %swap3A_52] {strides = array<i32>} : memref<8x64xf32, #tpu.memory_space<vmem>>, vector<1x16xf32>,
      %swap3A_54 = vector.shape_cast %swap3A_53 : vector<1x16xf32> to vector<16xf32>
      %swap3A_55 = vector.shape_cast %broadcast_in_dim3A_49 : vector<16xf32> to vector<1x16xf32>
      tpu.vector_store %arg7[%swap3A_51, %swap3A_52], %swap3A_55 {strides = array<i32>} : memref<8x64xf32, #tpu.memory_space<vmem>>, vector<1x16xf32>,
      %broadcast_in_dim3A_56 = arith.constant 0.000000e+00 : f32
      %broadcast_in_dim3A_57 = vector.broadcast %broadcast_in_dim3A_56 : f32 to vector<16xf32>
      %swap3A_58 = arith.constant 1 : i32
      %swap3A_59 = arith.index_cast %swap3A_58 : i32 to index
      %swap3A_60 = arith.constant 16 : index
      %swap3A_61 = tpu.vector_load %arg7[%swap3A_59, %swap3A_60] {strides = array<i32>} : memref<8x64xf32, #tpu.memory_space<vmem>>, vector<1x16xf32>,
      %swap3A_62 = vector.shape_cast %swap3A_61 : vector<1x16xf32> to vector<16xf32>
      %swap3A_63 = vector.shape_cast %broadcast_in_dim3A_57 : vector<16xf32> to vector<1x16xf32>
      tpu.vector_store %arg7[%swap3A_59, %swap3A_60], %swap3A_63 {strides = array<i32>} : memref<8x64xf32, #tpu.memory_space<vmem>>, vector<1x16xf32>,
      %broadcast_in_dim3A_64 = arith.constant 0.000000e+00 : f32
      %broadcast_in_dim3A_65 = vector.broadcast %broadcast_in_dim3A_64 : f32 to vector<16xf32>
      %swap3A_66 = arith.constant 1 : i32
      %swap3A_67 = arith.index_cast %swap3A_66 : i32 to index
      %swap3A_68 = arith.constant 32 : index
      %swap3A_69 = tpu.vector_load %arg7[%swap3A_67, %swap3A_68] {strides = array<i32>} : memref<8x64xf32, #tpu.memory_space<vmem>>, vector<1x16xf32>,
      %swap3A_70 = vector.shape_cast %swap3A_69 : vector<1x16xf32> to vector<16xf32>
      %swap3A_71 = vector.shape_cast %broadcast_in_dim3A_65 : vector<16xf32> to vector<1x16xf32>
      tpu.vector_store %arg7[%swap3A_67, %swap3A_68], %swap3A_71 {strides = array<i32>} : memref<8x64xf32, #tpu.memory_space<vmem>>, vector<1x16xf32>,
      %broadcast_in_dim3A_72 = arith.constant 0.000000e+00 : f32
      %broadcast_in_dim3A_73 = vector.broadcast %broadcast_in_dim3A_72 : f32 to vector<16xf32>
      %swap3A_74 = arith.constant 1 : i32
      %swap3A_75 = arith.index_cast %swap3A_74 : i32 to index
      %swap3A_76 = arith.constant 48 : index
      %swap3A_77 = tpu.vector_load %arg7[%swap3A_75, %swap3A_76] {strides = array<i32>} : memref<8x64xf32, #tpu.memory_space<vmem>>, vector<1x16xf32>,
      %swap3A_78 = vector.shape_cast %swap3A_77 : vector<1x16xf32> to vector<16xf32>
      %swap3A_79 = vector.shape_cast %broadcast_in_dim3A_73 : vector<16xf32> to vector<1x16xf32>
      tpu.vector_store %arg7[%swap3A_75, %swap3A_76], %swap3A_79 {strides = array<i32>} : memref<8x64xf32, #tpu.memory_space<vmem>>, vector<1x16xf32>,
      %broadcast_in_dim3A_80 = arith.constant 0.000000e+00 : f32
      %broadcast_in_dim3A_81 = vector.broadcast %broadcast_in_dim3A_80 : f32 to vector<16xf32>
      %swap3A_82 = arith.constant 2 : i32
      %swap3A_83 = arith.index_cast %swap3A_82 : i32 to index
      %swap3A_84 = arith.constant 0 : index
      %swap3A_85 = tpu.vector_load %arg7[%swap3A_83, %swap3A_84] {strides = array<i32>} : memref<8x64xf32, #tpu.memory_space<vmem>>, vector<1x16xf32>,
      %swap3A_86 = vector.shape_cast %swap3A_85 : vector<1x16xf32> to vector<16xf32>
      %swap3A_87 = vector.shape_cast %broadcast_in_dim3A_81 : vector<16xf32> to vector<1x16xf32>
      tpu.vector_store %arg7[%swap3A_83, %swap3A_84], %swap3A_87 {strides = array<i32>} : memref<8x64xf32, #tpu.memory_space<vmem>>, vector<1x16xf32>,
      %broadcast_in_dim3A_88 = arith.constant 0.000000e+00 : f32
      %broadcast_in_dim3A_89 = vector.broadcast %broadcast_in_dim3A_88 : f32 to vector<16xf32>
      %swap3A_90 = arith.constant 2 : i32
      %swap3A_91 = arith.index_cast %swap3A_90 : i32 to index
      %swap3A_92 = arith.constant 16 : index
      %swap3A_93 = tpu.vector_load %arg7[%swap3A_91, %swap3A_92] {strides = array<i32>} : memref<8x64xf32, #tpu.memory_space<vmem>>, vector<1x16xf32>,
      %swap3A_94 = vector.shape_cast %swap3A_93 : vector<1x16xf32> to vector<16xf32>
      %swap3A_95 = vector.shape_cast %broadcast_in_dim3A_89 : vector<16xf32> to vector<1x16xf32>
      tpu.vector_store %arg7[%swap3A_91, %swap3A_92], %swap3A_95 {strides = array<i32>} : memref<8x64xf32, #tpu.memory_space<vmem>>, vector<1x16xf32>,
      %broadcast_in_dim3A_96 = arith.constant 0.000000e+00 : f32
      %broadcast_in_dim3A_97 = vector.broadcast %broadcast_in_dim3A_96 : f32 to vector<16xf32>
      %swap3A_98 = arith.constant 2 : i32
      %swap3A_99 = arith.index_cast %swap3A_98 : i32 to index
      %swap3A_100 = arith.constant 32 : index
      %swap3A_101 = tpu.vector_load %arg7[%swap3A_99, %swap3A_100] {strides = array<i32>} : memref<8x64xf32, #tpu.memory_space<vmem>>, vector<1x16xf32>,
      %swap3A_102 = vector.shape_cast %swap3A_101 : vector<1x16xf32> to vector<16xf32>
      %swap3A_103 = vector.shape_cast %broadcast_in_dim3A_97 : vector<16xf32> to vector<1x16xf32>
      tpu.vector_store %arg7[%swap3A_99, %swap3A_100], %swap3A_103 {strides = array<i32>} : memref<8x64xf32, #tpu.memory_space<vmem>>, vector<1x16xf32>,
      %broadcast_in_dim3A_104 = arith.constant 0.000000e+00 : f32
      %broadcast_in_dim3A_105 = vector.broadcast %broadcast_in_dim3A_104 : f32 to vector<16xf32>
      %swap3A_106 = arith.constant 2 : i32
      %swap3A_107 = arith.index_cast %swap3A_106 : i32 to index
      %swap3A_108 = arith.constant 48 : index
      %swap3A_109 = tpu.vector_load %arg7[%swap3A_107, %swap3A_108] {strides = array<i32>} : memref<8x64xf32, #tpu.memory_space<vmem>>, vector<1x16xf32>,
      %swap3A_110 = vector.shape_cast %swap3A_109 : vector<1x16xf32> to vector<16xf32>
      %swap3A_111 = vector.shape_cast %broadcast_in_dim3A_105 : vector<16xf32> to vector<1x16xf32>
      tpu.vector_store %arg7[%swap3A_107, %swap3A_108], %swap3A_111 {strides = array<i32>} : memref<8x64xf32, #tpu.memory_space<vmem>>, vector<1x16xf32>,
      %broadcast_in_dim3A_112 = arith.constant 0.000000e+00 : f32
      %broadcast_in_dim3A_113 = vector.broadcast %broadcast_in_dim3A_112 : f32 to vector<16xf32>
      %swap3A_114 = arith.constant 3 : i32
      %swap3A_115 = arith.index_cast %swap3A_114 : i32 to index
      %swap3A_116 = arith.constant 0 : index
      %swap3A_117 = tpu.vector_load %arg7[%swap3A_115, %swap3A_116] {strides = array<i32>} : memref<8x64xf32, #tpu.memory_space<vmem>>, vector<1x16xf32>,
      %swap3A_118 = vector.shape_cast %swap3A_117 : vector<1x16xf32> to vector<16xf32>
      %swap3A_119 = vector.shape_cast %broadcast_in_dim3A_113 : vector<16xf32> to vector<1x16xf32>
      tpu.vector_store %arg7[%swap3A_115, %swap3A_116], %swap3A_119 {strides = array<i32>} : memref<8x64xf32, #tpu.memory_space<vmem>>, vector<1x16xf32>,
      %broadcast_in_dim3A_120 = arith.constant 0.000000e+00 : f32
      %broadcast_in_dim3A_121 = vector.broadcast %broadcast_in_dim3A_120 : f32 to vector<16xf32>
      %swap3A_122 = arith.constant 3 : i32
      %swap3A_123 = arith.index_cast %swap3A_122 : i32 to index
      %swap3A_124 = arith.constant 16 : index
      %swap3A_125 = tpu.vector_load %arg7[%swap3A_123, %swap3A_124] {strides = array<i32>} : memref<8x64xf32, #tpu.memory_space<vmem>>, vector<1x16xf32>,
      %swap3A_126 = vector.shape_cast %swap3A_125 : vector<1x16xf32> to vector<16xf32>
      %swap3A_127 = vector.shape_cast %broadcast_in_dim3A_121 : vector<16xf32> to vector<1x16xf32>
      tpu.vector_store %arg7[%swap3A_123, %swap3A_124], %swap3A_127 {strides = array<i32>} : memref<8x64xf32, #tpu.memory_space<vmem>>, vector<1x16xf32>,
      %broadcast_in_dim3A_128 = arith.constant 0.000000e+00 : f32
      %broadcast_in_dim3A_129 = vector.broadcast %broadcast_in_dim3A_128 : f32 to vector<16xf32>
      %swap3A_130 = arith.constant 3 : i32
      %swap3A_131 = arith.index_cast %swap3A_130 : i32 to index
      %swap3A_132 = arith.constant 32 : index
      %swap3A_133 = tpu.vector_load %arg7[%swap3A_131, %swap3A_132] {strides = array<i32>} : memref<8x64xf32, #tpu.memory_space<vmem>>, vector<1x16xf32>,
      %swap3A_134 = vector.shape_cast %swap3A_133 : vector<1x16xf32> to vector<16xf32>
      %swap3A_135 = vector.shape_cast %broadcast_in_dim3A_129 : vector<16xf32> to vector<1x16xf32>
      tpu.vector_store %arg7[%swap3A_131, %swap3A_132], %swap3A_135 {strides = array<i32>} : memref<8x64xf32, #tpu.memory_space<vmem>>, vector<1x16xf32>,
      %broadcast_in_dim3A_136 = arith.constant 0.000000e+00 : f32
      %broadcast_in_dim3A_137 = vector.broadcast %broadcast_in_dim3A_136 : f32 to vector<16xf32>
      %swap3A_138 = arith.constant 3 : i32
      %swap3A_139 = arith.index_cast %swap3A_138 : i32 to index
      %swap3A_140 = arith.constant 48 : index
      %swap3A_141 = tpu.vector_load %arg7[%swap3A_139, %swap3A_140] {strides = array<i32>} : memref<8x64xf32, #tpu.memory_space<vmem>>, vector<1x16xf32>,
      %swap3A_142 = vector.shape_cast %swap3A_141 : vector<1x16xf32> to vector<16xf32>
      %swap3A_143 = vector.shape_cast %broadcast_in_dim3A_137 : vector<16xf32> to vector<1x16xf32>
      tpu.vector_store %arg7[%swap3A_139, %swap3A_140], %swap3A_143 {strides = array<i32>} : memref<8x64xf32, #tpu.memory_space<vmem>>, vector<1x16xf32>,
      %broadcast_in_dim3A_144 = arith.constant 0.000000e+00 : f32
      %broadcast_in_dim3A_145 = vector.broadcast %broadcast_in_dim3A_144 : f32 to vector<16xf32>
      %swap3A_146 = arith.constant 4 : i32
      %swap3A_147 = arith.index_cast %swap3A_146 : i32 to index
      %swap3A_148 = arith.constant 0 : index
      %swap3A_149 = tpu.vector_load %arg7[%swap3A_147, %swap3A_148] {strides = array<i32>} : memref<8x64xf32, #tpu.memory_space<vmem>>, vector<1x16xf32>,
      %swap3A_150 = vector.shape_cast %swap3A_149 : vector<1x16xf32> to vector<16xf32>
      %swap3A_151 = vector.shape_cast %broadcast_in_dim3A_145 : vector<16xf32> to vector<1x16xf32>
      tpu.vector_store %arg7[%swap3A_147, %swap3A_148], %swap3A_151 {strides = array<i32>} : memref<8x64xf32, #tpu.memory_space<vmem>>, vector<1x16xf32>,
      %broadcast_in_dim3A_152 = arith.constant 0.000000e+00 : f32
      %broadcast_in_dim3A_153 = vector.broadcast %broadcast_in_dim3A_152 : f32 to vector<16xf32>
      %swap3A_154 = arith.constant 4 : i32
      %swap3A_155 = arith.index_cast %swap3A_154 : i32 to index
      %swap3A_156 = arith.constant 16 : index
      %swap3A_157 = tpu.vector_load %arg7[%swap3A_155, %swap3A_156] {strides = array<i32>} : memref<8x64xf32, #tpu.memory_space<vmem>>, vector<1x16xf32>,
      %swap3A_158 = vector.shape_cast %swap3A_157 : vector<1x16xf32> to vector<16xf32>
      %swap3A_159 = vector.shape_cast %broadcast_in_dim3A_153 : vector<16xf32> to vector<1x16xf32>
      tpu.vector_store %arg7[%swap3A_155, %swap3A_156], %swap3A_159 {strides = array<i32>} : memref<8x64xf32, #tpu.memory_space<vmem>>, vector<1x16xf32>,
      %broadcast_in_dim3A_160 = arith.constant 0.000000e+00 : f32
      %broadcast_in_dim3A_161 = vector.broadcast %broadcast_in_dim3A_160 : f32 to vector<16xf32>
      %swap3A_162 = arith.constant 4 : i32
      %swap3A_163 = arith.index_cast %swap3A_162 : i32 to index
      %swap3A_164 = arith.constant 32 : index
      %swap3A_165 = tpu.vector_load %arg7[%swap3A_163, %swap3A_164] {strides = array<i32>} : memref<8x64xf32, #tpu.memory_space<vmem>>, vector<1x16xf32>,
      %swap3A_166 = vector.shape_cast %swap3A_165 : vector<1x16xf32> to vector<16xf32>
      %swap3A_167 = vector.shape_cast %broadcast_in_dim3A_161 : vector<16xf32> to vector<1x16xf32>
      tpu.vector_store %arg7[%swap3A_163, %swap3A_164], %swap3A_167 {strides = array<i32>} : memref<8x64xf32, #tpu.memory_space<vmem>>, vector<1x16xf32>,
      %broadcast_in_dim3A_168 = arith.constant 0.000000e+00 : f32
      %broadcast_in_dim3A_169 = vector.broadcast %broadcast_in_dim3A_168 : f32 to vector<16xf32>
      %swap3A_170 = arith.constant 4 : i32
      %swap3A_171 = arith.index_cast %swap3A_170 : i32 to index
      %swap3A_172 = arith.constant 48 : index
      %swap3A_173 = tpu.vector_load %arg7[%swap3A_171, %swap3A_172] {strides = array<i32>} : memref<8x64xf32, #tpu.memory_space<vmem>>, vector<1x16xf32>,
      %swap3A_174 = vector.shape_cast %swap3A_173 : vector<1x16xf32> to vector<16xf32>
      %swap3A_175 = vector.shape_cast %broadcast_in_dim3A_169 : vector<16xf32> to vector<1x16xf32>
      tpu.vector_store %arg7[%swap3A_171, %swap3A_172], %swap3A_175 {strides = array<i32>} : memref<8x64xf32, #tpu.memory_space<vmem>>, vector<1x16xf32>,
      %broadcast_in_dim3A_176 = arith.constant 0.000000e+00 : f32
      %broadcast_in_dim3A_177 = vector.broadcast %broadcast_in_dim3A_176 : f32 to vector<16xf32>
      %swap3A_178 = arith.constant 5 : i32
      %swap3A_179 = arith.index_cast %swap3A_178 : i32 to index
      %swap3A_180 = arith.constant 0 : index
      %swap3A_181 = tpu.vector_load %arg7[%swap3A_179, %swap3A_180] {strides = array<i32>} : memref<8x64xf32, #tpu.memory_space<vmem>>, vector<1x16xf32>,
      %swap3A_182 = vector.shape_cast %swap3A_181 : vector<1x16xf32> to vector<16xf32>
      %swap3A_183 = vector.shape_cast %broadcast_in_dim3A_177 : vector<16xf32> to vector<1x16xf32>
      tpu.vector_store %arg7[%swap3A_179, %swap3A_180], %swap3A_183 {strides = array<i32>} : memref<8x64xf32, #tpu.memory_space<vmem>>, vector<1x16xf32>,
      %broadcast_in_dim3A_184 = arith.constant 0.000000e+00 : f32
      %broadcast_in_dim3A_185 = vector.broadcast %broadcast_in_dim3A_184 : f32 to vector<16xf32>
      %swap3A_186 = arith.constant 5 : i32
      %swap3A_187 = arith.index_cast %swap3A_186 : i32 to index
      %swap3A_188 = arith.constant 16 : index
      %swap3A_189 = tpu.vector_load %arg7[%swap3A_187, %swap3A_188] {strides = array<i32>} : memref<8x64xf32, #tpu.memory_space<vmem>>, vector<1x16xf32>,
      %swap3A_190 = vector.shape_cast %swap3A_189 : vector<1x16xf32> to vector<16xf32>
      %swap3A_191 = vector.shape_cast %broadcast_in_dim3A_185 : vector<16xf32> to vector<1x16xf32>
      tpu.vector_store %arg7[%swap3A_187, %swap3A_188], %swap3A_191 {strides = array<i32>} : memref<8x64xf32, #tpu.memory_space<vmem>>, vector<1x16xf32>,
      %broadcast_in_dim3A_192 = arith.constant 0.000000e+00 : f32
      %broadcast_in_dim3A_193 = vector.broadcast %broadcast_in_dim3A_192 : f32 to vector<16xf32>
      %swap3A_194 = arith.constant 5 : i32
      %swap3A_195 = arith.index_cast %swap3A_194 : i32 to index
      %swap3A_196 = arith.constant 32 : index
      %swap3A_197 = tpu.vector_load %arg7[%swap3A_195, %swap3A_196] {strides = array<i32>} : memref<8x64xf32, #tpu.memory_space<vmem>>, vector<1x16xf32>,
      %swap3A_198 = vector.shape_cast %swap3A_197 : vector<1x16xf32> to vector<16xf32>
      %swap3A_199 = vector.shape_cast %broadcast_in_dim3A_193 : vector<16xf32> to vector<1x16xf32>
      tpu.vector_store %arg7[%swap3A_195, %swap3A_196], %swap3A_199 {strides = array<i32>} : memref<8x64xf32, #tpu.memory_space<vmem>>, vector<1x16xf32>,
      %broadcast_in_dim3A_200 = arith.constant 0.000000e+00 : f32
      %broadcast_in_dim3A_201 = vector.broadcast %broadcast_in_dim3A_200 : f32 to vector<16xf32>
      %swap3A_202 = arith.constant 5 : i32
      %swap3A_203 = arith.index_cast %swap3A_202 : i32 to index
      %swap3A_204 = arith.constant 48 : index
      %swap3A_205 = tpu.vector_load %arg7[%swap3A_203, %swap3A_204] {strides = array<i32>} : memref<8x64xf32, #tpu.memory_space<vmem>>, vector<1x16xf32>,
      %swap3A_206 = vector.shape_cast %swap3A_205 : vector<1x16xf32> to vector<16xf32>
      %swap3A_207 = vector.shape_cast %broadcast_in_dim3A_201 : vector<16xf32> to vector<1x16xf32>
      tpu.vector_store %arg7[%swap3A_203, %swap3A_204], %swap3A_207 {strides = array<i32>} : memref<8x64xf32, #tpu.memory_space<vmem>>, vector<1x16xf32>,
      %broadcast_in_dim3A_208 = arith.constant 0.000000e+00 : f32
      %broadcast_in_dim3A_209 = vector.broadcast %broadcast_in_dim3A_208 : f32 to vector<16xf32>
      %swap3A_210 = arith.constant 6 : i32
      %swap3A_211 = arith.index_cast %swap3A_210 : i32 to index
      %swap3A_212 = arith.constant 0 : index
      %swap3A_213 = tpu.vector_load %arg7[%swap3A_211, %swap3A_212] {strides = array<i32>} : memref<8x64xf32, #tpu.memory_space<vmem>>, vector<1x16xf32>,
      %swap3A_214 = vector.shape_cast %swap3A_213 : vector<1x16xf32> to vector<16xf32>
      %swap3A_215 = vector.shape_cast %broadcast_in_dim3A_209 : vector<16xf32> to vector<1x16xf32>
      tpu.vector_store %arg7[%swap3A_211, %swap3A_212], %swap3A_215 {strides = array<i32>} : memref<8x64xf32, #tpu.memory_space<vmem>>, vector<1x16xf32>,
      %broadcast_in_dim3A_216 = arith.constant 0.000000e+00 : f32
      %broadcast_in_dim3A_217 = vector.broadcast %broadcast_in_dim3A_216 : f32 to vector<16xf32>
      %swap3A_218 = arith.constant 6 : i32
      %swap3A_219 = arith.index_cast %swap3A_218 : i32 to index
      %swap3A_220 = arith.constant 16 : index
      %swap3A_221 = tpu.vector_load %arg7[%swap3A_219, %swap3A_220] {strides = array<i32>} : memref<8x64xf32, #tpu.memory_space<vmem>>, vector<1x16xf32>,
      %swap3A_222 = vector.shape_cast %swap3A_221 : vector<1x16xf32> to vector<16xf32>
      %swap3A_223 = vector.shape_cast %broadcast_in_dim3A_217 : vector<16xf32> to vector<1x16xf32>
      tpu.vector_store %arg7[%swap3A_219, %swap3A_220], %swap3A_223 {strides = array<i32>} : memref<8x64xf32, #tpu.memory_space<vmem>>, vector<1x16xf32>,
      %broadcast_in_dim3A_224 = arith.constant 0.000000e+00 : f32
      %broadcast_in_dim3A_225 = vector.broadcast %broadcast_in_dim3A_224 : f32 to vector<16xf32>
      %swap3A_226 = arith.constant 6 : i32
      %swap3A_227 = arith.index_cast %swap3A_226 : i32 to index
      %swap3A_228 = arith.constant 32 : index
      %swap3A_229 = tpu.vector_load %arg7[%swap3A_227, %swap3A_228] {strides = array<i32>} : memref<8x64xf32, #tpu.memory_space<vmem>>, vector<1x16xf32>,
      %swap3A_230 = vector.shape_cast %swap3A_229 : vector<1x16xf32> to vector<16xf32>
      %swap3A_231 = vector.shape_cast %broadcast_in_dim3A_225 : vector<16xf32> to vector<1x16xf32>
      tpu.vector_store %arg7[%swap3A_227, %swap3A_228], %swap3A_231 {strides = array<i32>} : memref<8x64xf32, #tpu.memory_space<vmem>>, vector<1x16xf32>,
      %broadcast_in_dim3A_232 = arith.constant 0.000000e+00 : f32
      %broadcast_in_dim3A_233 = vector.broadcast %broadcast_in_dim3A_232 : f32 to vector<16xf32>
      %swap3A_234 = arith.constant 6 : i32
      %swap3A_235 = arith.index_cast %swap3A_234 : i32 to index
      %swap3A_236 = arith.constant 48 : index
      %swap3A_237 = tpu.vector_load %arg7[%swap3A_235, %swap3A_236] {strides = array<i32>} : memref<8x64xf32, #tpu.memory_space<vmem>>, vector<1x16xf32>,
      %swap3A_238 = vector.shape_cast %swap3A_237 : vector<1x16xf32> to vector<16xf32>
      %swap3A_239 = vector.shape_cast %broadcast_in_dim3A_233 : vector<16xf32> to vector<1x16xf32>
      tpu.vector_store %arg7[%swap3A_235, %swap3A_236], %swap3A_239 {strides = array<i32>} : memref<8x64xf32, #tpu.memory_space<vmem>>, vector<1x16xf32>,
      %broadcast_in_dim3A_240 = arith.constant 0.000000e+00 : f32
      %broadcast_in_dim3A_241 = vector.broadcast %broadcast_in_dim3A_240 : f32 to vector<16xf32>
      %swap3A_242 = arith.constant 7 : i32
      %swap3A_243 = arith.index_cast %swap3A_242 : i32 to index
      %swap3A_244 = arith.constant 0 : index
      %swap3A_245 = tpu.vector_load %arg7[%swap3A_243, %swap3A_244] {strides = array<i32>} : memref<8x64xf32, #tpu.memory_space<vmem>>, vector<1x16xf32>,
      %swap3A_246 = vector.shape_cast %swap3A_245 : vector<1x16xf32> to vector<16xf32>
      %swap3A_247 = vector.shape_cast %broadcast_in_dim3A_241 : vector<16xf32> to vector<1x16xf32>
      tpu.vector_store %arg7[%swap3A_243, %swap3A_244], %swap3A_247 {strides = array<i32>} : memref<8x64xf32, #tpu.memory_space<vmem>>, vector<1x16xf32>,
      %broadcast_in_dim3A_248 = arith.constant 0.000000e+00 : f32
      %broadcast_in_dim3A_249 = vector.broadcast %broadcast_in_dim3A_248 : f32 to vector<16xf32>
      %swap3A_250 = arith.constant 7 : i32
      %swap3A_251 = arith.index_cast %swap3A_250 : i32 to index
      %swap3A_252 = arith.constant 16 : index
      %swap3A_253 = tpu.vector_load %arg7[%swap3A_251, %swap3A_252] {strides = array<i32>} : memref<8x64xf32, #tpu.memory_space<vmem>>, vector<1x16xf32>,
      %swap3A_254 = vector.shape_cast %swap3A_253 : vector<1x16xf32> to vector<16xf32>
      %swap3A_255 = vector.shape_cast %broadcast_in_dim3A_249 : vector<16xf32> to vector<1x16xf32>
      tpu.vector_store %arg7[%swap3A_251, %swap3A_252], %swap3A_255 {strides = array<i32>} : memref<8x64xf32, #tpu.memory_space<vmem>>, vector<1x16xf32>,
      %broadcast_in_dim3A_256 = arith.constant 0.000000e+00 : f32
      %broadcast_in_dim3A_257 = vector.broadcast %broadcast_in_dim3A_256 : f32 to vector<16xf32>
      %swap3A_258 = arith.constant 7 : i32
      %swap3A_259 = arith.index_cast %swap3A_258 : i32 to index
      %swap3A_260 = arith.constant 32 : index
      %swap3A_261 = tpu.vector_load %arg7[%swap3A_259, %swap3A_260] {strides = array<i32>} : memref<8x64xf32, #tpu.memory_space<vmem>>, vector<1x16xf32>,
      %swap3A_262 = vector.shape_cast %swap3A_261 : vector<1x16xf32> to vector<16xf32>
      %swap3A_263 = vector.shape_cast %broadcast_in_dim3A_257 : vector<16xf32> to vector<1x16xf32>
      tpu.vector_store %arg7[%swap3A_259, %swap3A_260], %swap3A_263 {strides = array<i32>} : memref<8x64xf32, #tpu.memory_space<vmem>>, vector<1x16xf32>,
      %broadcast_in_dim3A_264 = arith.constant 0.000000e+00 : f32
      %broadcast_in_dim3A_265 = vector.broadcast %broadcast_in_dim3A_264 : f32 to vector<16xf32>
      %swap3A_266 = arith.constant 7 : i32
      %swap3A_267 = arith.index_cast %swap3A_266 : i32 to index
      %swap3A_268 = arith.constant 48 : index
      %swap3A_269 = tpu.vector_load %arg7[%swap3A_267, %swap3A_268] {strides = array<i32>} : memref<8x64xf32, #tpu.memory_space<vmem>>, vector<1x16xf32>,
      %swap3A_270 = vector.shape_cast %swap3A_269 : vector<1x16xf32> to vector<16xf32>
      %swap3A_271 = vector.shape_cast %broadcast_in_dim3A_265 : vector<16xf32> to vector<1x16xf32>
      tpu.vector_store %arg7[%swap3A_267, %swap3A_268], %swap3A_271 {strides = array<i32>} : memref<8x64xf32, #tpu.memory_space<vmem>>, vector<1x16xf32>,
      %scan3A_272 = arith.constant 0 : i32
      %scan3A_273 = arith.constant 0 : i32
      %scan3A_274 = arith.constant 200 : i32
      %scan3A_275 = arith.addi %scan3A_273, %scan3A_274 : i32
      %scan3A_276 = arith.constant 1 : i32
      scf.for %scan3A_730 = %scan3A_273 to %scan3A_275 step %scan3A_276  : i32 {
        %get3A_731 = arith.constant 0 : i32
        %get3A_732 = arith.index_cast %get3A_731 : i32 to index
        %get3A_733 = arith.constant 0 : index
        %get3A_734 = tpu.vector_load %arg7[%get3A_732, %get3A_733] {strides = array<i32>} : memref<8x64xf32, #tpu.memory_space<vmem>>, vector<1x16xf32>,
        %get3A_735 = vector.shape_cast %get3A_734 : vector<1x16xf32> to vector<16xf32>
        %add3A_736 = arith.constant 0 : i32
        %add3A_737 = arith.addi %add3A_736, %scan3A_730 : i32
        %get3A_738 = arith.index_cast %add3A_737 : i32 to index
        %get3A_739 = arith.constant 0 : index
        %get3A_740 = tpu.vector_load %arg6[%get3A_738, %get3A_739] {strides = array<i32>} : memref<1600x64xf32, #tpu.memory_space<vmem>>, vector<1x16xf32>,
        %get3A_741 = vector.shape_cast %get3A_740 : vector<1x16xf32> to vector<16xf32>
        %add3A_742 = arith.addf %get3A_735, %get3A_741 : vector<16xf32>
        %swap3A_743 = arith.constant 0 : i32
        %swap3A_744 = arith.index_cast %swap3A_743 : i32 to index
        %swap3A_745 = arith.constant 0 : index
        %swap3A_746 = tpu.vector_load %arg7[%swap3A_744, %swap3A_745] {strides = array<i32>} : memref<8x64xf32, #tpu.memory_space<vmem>>, vector<1x16xf32>,
        %swap3A_747 = vector.shape_cast %swap3A_746 : vector<1x16xf32> to vector<16xf32>
        %swap3A_748 = vector.shape_cast %add3A_742 : vector<16xf32> to vector<1x16xf32>
        tpu.vector_store %arg7[%swap3A_744, %swap3A_745], %swap3A_748 {strides = array<i32>} : memref<8x64xf32, #tpu.memory_space<vmem>>, vector<1x16xf32>,
        %get3A_749 = arith.constant 0 : i32
        %get3A_750 = arith.index_cast %get3A_749 : i32 to index
        %get3A_751 = arith.constant 16 : index
        %get3A_752 = tpu.vector_load %arg7[%get3A_750, %get3A_751] {strides = array<i32>} : memref<8x64xf32, #tpu.memory_space<vmem>>, vector<1x16xf32>,
        %get3A_753 = vector.shape_cast %get3A_752 : vector<1x16xf32> to vector<16xf32>
        %add3A_754 = arith.constant 0 : i32
        %add3A_755 = arith.addi %add3A_754, %scan3A_730 : i32
        %get3A_756 = arith.index_cast %add3A_755 : i32 to index
        %get3A_757 = arith.constant 16 : index
        %get3A_758 = tpu.vector_load %arg6[%get3A_756, %get3A_757] {strides = array<i32>} : memref<1600x64xf32, #tpu.memory_space<vmem>>, vector<1x16xf32>,
        %get3A_759 = vector.shape_cast %get3A_758 : vector<1x16xf32> to vector<16xf32>
        %add3A_760 = arith.addf %get3A_753, %get3A_759 : vector<16xf32>
        %swap3A_761 = arith.constant 0 : i32
        %swap3A_762 = arith.index_cast %swap3A_761 : i32 to index
        %swap3A_763 = arith.constant 16 : index
        %swap3A_764 = tpu.vector_load %arg7[%swap3A_762, %swap3A_763] {strides = array<i32>} : memref<8x64xf32, #tpu.memory_space<vmem>>, vector<1x16xf32>,
        %swap3A_765 = vector.shape_cast %swap3A_764 : vector<1x16xf32> to vector<16xf32>
        %swap3A_766 = vector.shape_cast %add3A_760 : vector<16xf32> to vector<1x16xf32>
        tpu.vector_store %arg7[%swap3A_762, %swap3A_763], %swap3A_766 {strides = array<i32>} : memref<8x64xf32, #tpu.memory_space<vmem>>, vector<1x16xf32>,
        %get3A_767 = arith.constant 0 : i32
        %get3A_768 = arith.index_cast %get3A_767 : i32 to index
        %get3A_769 = arith.constant 32 : index
        %get3A_770 = tpu.vector_load %arg7[%get3A_768, %get3A_769] {strides = array<i32>} : memref<8x64xf32, #tpu.memory_space<vmem>>, vector<1x16xf32>,
        %get3A_771 = vector.shape_cast %get3A_770 : vector<1x16xf32> to vector<16xf32>
        %add3A_772 = arith.constant 0 : i32
        %add3A_773 = arith.addi %add3A_772, %scan3A_730 : i32
        %get3A_774 = arith.index_cast %add3A_773 : i32 to index
        %get3A_775 = arith.constant 32 : index
        %get3A_776 = tpu.vector_load %arg6[%get3A_774, %get3A_775] {strides = array<i32>} : memref<1600x64xf32, #tpu.memory_space<vmem>>, vector<1x16xf32>,
        %get3A_777 = vector.shape_cast %get3A_776 : vector<1x16xf32> to vector<16xf32>
        %add3A_778 = arith.addf %get3A_771, %get3A_777 : vector<16xf32>
        %swap3A_779 = arith.constant 0 : i32
        %swap3A_780 = arith.index_cast %swap3A_779 : i32 to index
        %swap3A_781 = arith.constant 32 : index
        %swap3A_782 = tpu.vector_load %arg7[%swap3A_780, %swap3A_781] {strides = array<i32>} : memref<8x64xf32, #tpu.memory_space<vmem>>, vector<1x16xf32>,
        %swap3A_783 = vector.shape_cast %swap3A_782 : vector<1x16xf32> to vector<16xf32>
        %swap3A_784 = vector.shape_cast %add3A_778 : vector<16xf32> to vector<1x16xf32>
        tpu.vector_store %arg7[%swap3A_780, %swap3A_781], %swap3A_784 {strides = array<i32>} : memref<8x64xf32, #tpu.memory_space<vmem>>, vector<1x16xf32>,
        %get3A_785 = arith.constant 0 : i32
        %get3A_786 = arith.index_cast %get3A_785 : i32 to index
        %get3A_787 = arith.constant 48 : index
        %get3A_788 = tpu.vector_load %arg7[%get3A_786, %get3A_787] {strides = array<i32>} : memref<8x64xf32, #tpu.memory_space<vmem>>, vector<1x16xf32>,
        %get3A_789 = vector.shape_cast %get3A_788 : vector<1x16xf32> to vector<16xf32>
        %add3A_790 = arith.constant 0 : i32
        %add3A_791 = arith.addi %add3A_790, %scan3A_730 : i32
        %get3A_792 = arith.index_cast %add3A_791 : i32 to index
        %get3A_793 = arith.constant 48 : index
        %get3A_794 = tpu.vector_load %arg6[%get3A_792, %get3A_793] {strides = array<i32>} : memref<1600x64xf32, #tpu.memory_space<vmem>>, vector<1x16xf32>,
        %get3A_795 = vector.shape_cast %get3A_794 : vector<1x16xf32> to vector<16xf32>
        %add3A_796 = arith.addf %get3A_789, %get3A_795 : vector<16xf32>
        %swap3A_797 = arith.constant 0 : i32
        %swap3A_798 = arith.index_cast %swap3A_797 : i32 to index
        %swap3A_799 = arith.constant 48 : index
        %swap3A_800 = tpu.vector_load %arg7[%swap3A_798, %swap3A_799] {strides = array<i32>} : memref<8x64xf32, #tpu.memory_space<vmem>>, vector<1x16xf32>,
        %swap3A_801 = vector.shape_cast %swap3A_800 : vector<1x16xf32> to vector<16xf32>
        %swap3A_802 = vector.shape_cast %add3A_796 : vector<16xf32> to vector<1x16xf32>
        tpu.vector_store %arg7[%swap3A_798, %swap3A_799], %swap3A_802 {strides = array<i32>} : memref<8x64xf32, #tpu.memory_space<vmem>>, vector<1x16xf32>,
        %get3A_803 = arith.constant 1 : i32
        %get3A_804 = arith.index_cast %get3A_803 : i32 to index
        %get3A_805 = arith.constant 0 : index
        %get3A_806 = tpu.vector_load %arg7[%get3A_804, %get3A_805] {strides = array<i32>} : memref<8x64xf32, #tpu.memory_space<vmem>>, vector<1x16xf32>,
        %get3A_807 = vector.shape_cast %get3A_806 : vector<1x16xf32> to vector<16xf32>
        %add3A_808 = arith.constant 200 : i32
        %add3A_809 = arith.addi %add3A_808, %scan3A_730 : i32
        %get3A_810 = arith.index_cast %add3A_809 : i32 to index
        %get3A_811 = arith.constant 0 : index
        %get3A_812 = tpu.vector_load %arg6[%get3A_810, %get3A_811] {strides = array<i32>} : memref<1600x64xf32, #tpu.memory_space<vmem>>, vector<1x16xf32>,
        %get3A_813 = vector.shape_cast %get3A_812 : vector<1x16xf32> to vector<16xf32>
        %add3A_814 = arith.addf %get3A_807, %get3A_813 : vector<16xf32>
        %swap3A_815 = arith.constant 1 : i32
        %swap3A_816 = arith.index_cast %swap3A_815 : i32 to index
        %swap3A_817 = arith.constant 0 : index
        %swap3A_818 = tpu.vector_load %arg7[%swap3A_816, %swap3A_817] {strides = array<i32>} : memref<8x64xf32, #tpu.memory_space<vmem>>, vector<1x16xf32>,
        %swap3A_819 = vector.shape_cast %swap3A_818 : vector<1x16xf32> to vector<16xf32>
        %swap3A_820 = vector.shape_cast %add3A_814 : vector<16xf32> to vector<1x16xf32>
        tpu.vector_store %arg7[%swap3A_816, %swap3A_817], %swap3A_820 {strides = array<i32>} : memref<8x64xf32, #tpu.memory_space<vmem>>, vector<1x16xf32>,
        %get3A_821 = arith.constant 1 : i32
        %get3A_822 = arith.index_cast %get3A_821 : i32 to index
        %get3A_823 = arith.constant 16 : index
        %get3A_824 = tpu.vector_load %arg7[%get3A_822, %get3A_823] {strides = array<i32>} : memref<8x64xf32, #tpu.memory_space<vmem>>, vector<1x16xf32>,
        %get3A_825 = vector.shape_cast %get3A_824 : vector<1x16xf32> to vector<16xf32>
        %add3A_826 = arith.constant 200 : i32
        %add3A_827 = arith.addi %add3A_826, %scan3A_730 : i32
        %get3A_828 = arith.index_cast %add3A_827 : i32 to index
        %get3A_829 = arith.constant 16 : index
        %get3A_830 = tpu.vector_load %arg6[%get3A_828, %get3A_829] {strides = array<i32>} : memref<1600x64xf32, #tpu.memory_space<vmem>>, vector<1x16xf32>,
        %get3A_831 = vector.shape_cast %get3A_830 : vector<1x16xf32> to vector<16xf32>
        %add3A_832 = arith.addf %get3A_825, %get3A_831 : vector<16xf32>
        %swap3A_833 = arith.constant 1 : i32
        %swap3A_834 = arith.index_cast %swap3A_833 : i32 to index
        %swap3A_835 = arith.constant 16 : index
        %swap3A_836 = tpu.vector_load %arg7[%swap3A_834, %swap3A_835] {strides = array<i32>} : memref<8x64xf32, #tpu.memory_space<vmem>>, vector<1x16xf32>,
        %swap3A_837 = vector.shape_cast %swap3A_836 : vector<1x16xf32> to vector<16xf32>
        %swap3A_838 = vector.shape_cast %add3A_832 : vector<16xf32> to vector<1x16xf32>
        tpu.vector_store %arg7[%swap3A_834, %swap3A_835], %swap3A_838 {strides = array<i32>} : memref<8x64xf32, #tpu.memory_space<vmem>>, vector<1x16xf32>,
        %get3A_839 = arith.constant 1 : i32
        %get3A_840 = arith.index_cast %get3A_839 : i32 to index
        %get3A_841 = arith.constant 32 : index
        %get3A_842 = tpu.vector_load %arg7[%get3A_840, %get3A_841] {strides = array<i32>} : memref<8x64xf32, #tpu.memory_space<vmem>>, vector<1x16xf32>,
        %get3A_843 = vector.shape_cast %get3A_842 : vector<1x16xf32> to vector<16xf32>
        %add3A_844 = arith.constant 200 : i32
        %add3A_845 = arith.addi %add3A_844, %scan3A_730 : i32
        %get3A_846 = arith.index_cast %add3A_845 : i32 to index
        %get3A_847 = arith.constant 32 : index
        %get3A_848 = tpu.vector_load %arg6[%get3A_846, %get3A_847] {strides = array<i32>} : memref<1600x64xf32, #tpu.memory_space<vmem>>, vector<1x16xf32>,
        %get3A_849 = vector.shape_cast %get3A_848 : vector<1x16xf32> to vector<16xf32>
        %add3A_850 = arith.addf %get3A_843, %get3A_849 : vector<16xf32>
        %swap3A_851 = arith.constant 1 : i32
        %swap3A_852 = arith.index_cast %swap3A_851 : i32 to index
        %swap3A_853 = arith.constant 32 : index
        %swap3A_854 = tpu.vector_load %arg7[%swap3A_852, %swap3A_853] {strides = array<i32>} : memref<8x64xf32, #tpu.memory_space<vmem>>, vector<1x16xf32>,
        %swap3A_855 = vector.shape_cast %swap3A_854 : vector<1x16xf32> to vector<16xf32>
        %swap3A_856 = vector.shape_cast %add3A_850 : vector<16xf32> to vector<1x16xf32>
        tpu.vector_store %arg7[%swap3A_852, %swap3A_853], %swap3A_856 {strides = array<i32>} : memref<8x64xf32, #tpu.memory_space<vmem>>, vector<1x16xf32>,
        %get3A_857 = arith.constant 1 : i32
        %get3A_858 = arith.index_cast %get3A_857 : i32 to index
        %get3A_859 = arith.constant 48 : index
        %get3A_860 = tpu.vector_load %arg7[%get3A_858, %get3A_859] {strides = array<i32>} : memref<8x64xf32, #tpu.memory_space<vmem>>, vector<1x16xf32>,
        %get3A_861 = vector.shape_cast %get3A_860 : vector<1x16xf32> to vector<16xf32>
        %add3A_862 = arith.constant 200 : i32
        %add3A_863 = arith.addi %add3A_862, %scan3A_730 : i32
        %get3A_864 = arith.index_cast %add3A_863 : i32 to index
        %get3A_865 = arith.constant 48 : index
        %get3A_866 = tpu.vector_load %arg6[%get3A_864, %get3A_865] {strides = array<i32>} : memref<1600x64xf32, #tpu.memory_space<vmem>>, vector<1x16xf32>,
        %get3A_867 = vector.shape_cast %get3A_866 : vector<1x16xf32> to vector<16xf32>
        %add3A_868 = arith.addf %get3A_861, %get3A_867 : vector<16xf32>
        %swap3A_869 = arith.constant 1 : i32
        %swap3A_870 = arith.index_cast %swap3A_869 : i32 to index
        %swap3A_871 = arith.constant 48 : index
        %swap3A_872 = tpu.vector_load %arg7[%swap3A_870, %swap3A_871] {strides = array<i32>} : memref<8x64xf32, #tpu.memory_space<vmem>>, vector<1x16xf32>,
        %swap3A_873 = vector.shape_cast %swap3A_872 : vector<1x16xf32> to vector<16xf32>
        %swap3A_874 = vector.shape_cast %add3A_868 : vector<16xf32> to vector<1x16xf32>
        tpu.vector_store %arg7[%swap3A_870, %swap3A_871], %swap3A_874 {strides = array<i32>} : memref<8x64xf32, #tpu.memory_space<vmem>>, vector<1x16xf32>,
        %get3A_875 = arith.constant 2 : i32
        %get3A_876 = arith.index_cast %get3A_875 : i32 to index
        %get3A_877 = arith.constant 0 : index
        %get3A_878 = tpu.vector_load %arg7[%get3A_876, %get3A_877] {strides = array<i32>} : memref<8x64xf32, #tpu.memory_space<vmem>>, vector<1x16xf32>,
        %get3A_879 = vector.shape_cast %get3A_878 : vector<1x16xf32> to vector<16xf32>
        %add3A_880 = arith.constant 400 : i32
        %add3A_881 = arith.addi %add3A_880, %scan3A_730 : i32
        %get3A_882 = arith.index_cast %add3A_881 : i32 to index
        %get3A_883 = arith.constant 0 : index
        %get3A_884 = tpu.vector_load %arg6[%get3A_882, %get3A_883] {strides = array<i32>} : memref<1600x64xf32, #tpu.memory_space<vmem>>, vector<1x16xf32>,
        %get3A_885 = vector.shape_cast %get3A_884 : vector<1x16xf32> to vector<16xf32>
        %add3A_886 = arith.addf %get3A_879, %get3A_885 : vector<16xf32>
        %swap3A_887 = arith.constant 2 : i32
        %swap3A_888 = arith.index_cast %swap3A_887 : i32 to index
        %swap3A_889 = arith.constant 0 : index
        %swap3A_890 = tpu.vector_load %arg7[%swap3A_888, %swap3A_889] {strides = array<i32>} : memref<8x64xf32, #tpu.memory_space<vmem>>, vector<1x16xf32>,
        %swap3A_891 = vector.shape_cast %swap3A_890 : vector<1x16xf32> to vector<16xf32>
        %swap3A_892 = vector.shape_cast %add3A_886 : vector<16xf32> to vector<1x16xf32>
        tpu.vector_store %arg7[%swap3A_888, %swap3A_889], %swap3A_892 {strides = array<i32>} : memref<8x64xf32, #tpu.memory_space<vmem>>, vector<1x16xf32>,
        %get3A_893 = arith.constant 2 : i32
        %get3A_894 = arith.index_cast %get3A_893 : i32 to index
        %get3A_895 = arith.constant 16 : index
        %get3A_896 = tpu.vector_load %arg7[%get3A_894, %get3A_895] {strides = array<i32>} : memref<8x64xf32, #tpu.memory_space<vmem>>, vector<1x16xf32>,
        %get3A_897 = vector.shape_cast %get3A_896 : vector<1x16xf32> to vector<16xf32>
        %add3A_898 = arith.constant 400 : i32
        %add3A_899 = arith.addi %add3A_898, %scan3A_730 : i32
        %get3A_900 = arith.index_cast %add3A_899 : i32 to index
        %get3A_901 = arith.constant 16 : index
        %get3A_902 = tpu.vector_load %arg6[%get3A_900, %get3A_901] {strides = array<i32>} : memref<1600x64xf32, #tpu.memory_space<vmem>>, vector<1x16xf32>,
        %get3A_903 = vector.shape_cast %get3A_902 : vector<1x16xf32> to vector<16xf32>
        %add3A_904 = arith.addf %get3A_897, %get3A_903 : vector<16xf32>
        %swap3A_905 = arith.constant 2 : i32
        %swap3A_906 = arith.index_cast %swap3A_905 : i32 to index
        %swap3A_907 = arith.constant 16 : index
        %swap3A_908 = tpu.vector_load %arg7[%swap3A_906, %swap3A_907] {strides = array<i32>} : memref<8x64xf32, #tpu.memory_space<vmem>>, vector<1x16xf32>,
        %swap3A_909 = vector.shape_cast %swap3A_908 : vector<1x16xf32> to vector<16xf32>
        %swap3A_910 = vector.shape_cast %add3A_904 : vector<16xf32> to vector<1x16xf32>
        tpu.vector_store %arg7[%swap3A_906, %swap3A_907], %swap3A_910 {strides = array<i32>} : memref<8x64xf32, #tpu.memory_space<vmem>>, vector<1x16xf32>,
        %get3A_911 = arith.constant 2 : i32
        %get3A_912 = arith.index_cast %get3A_911 : i32 to index
        %get3A_913 = arith.constant 32 : index
        %get3A_914 = tpu.vector_load %arg7[%get3A_912, %get3A_913] {strides = array<i32>} : memref<8x64xf32, #tpu.memory_space<vmem>>, vector<1x16xf32>,
        %get3A_915 = vector.shape_cast %get3A_914 : vector<1x16xf32> to vector<16xf32>
        %add3A_916 = arith.constant 400 : i32
        %add3A_917 = arith.addi %add3A_916, %scan3A_730 : i32
        %get3A_918 = arith.index_cast %add3A_917 : i32 to index
        %get3A_919 = arith.constant 32 : index
        %get3A_920 = tpu.vector_load %arg6[%get3A_918, %get3A_919] {strides = array<i32>} : memref<1600x64xf32, #tpu.memory_space<vmem>>, vector<1x16xf32>,
        %get3A_921 = vector.shape_cast %get3A_920 : vector<1x16xf32> to vector<16xf32>
        %add3A_922 = arith.addf %get3A_915, %get3A_921 : vector<16xf32>
        %swap3A_923 = arith.constant 2 : i32
        %swap3A_924 = arith.index_cast %swap3A_923 : i32 to index
        %swap3A_925 = arith.constant 32 : index
        %swap3A_926 = tpu.vector_load %arg7[%swap3A_924, %swap3A_925] {strides = array<i32>} : memref<8x64xf32, #tpu.memory_space<vmem>>, vector<1x16xf32>,
        %swap3A_927 = vector.shape_cast %swap3A_926 : vector<1x16xf32> to vector<16xf32>
        %swap3A_928 = vector.shape_cast %add3A_922 : vector<16xf32> to vector<1x16xf32>
        tpu.vector_store %arg7[%swap3A_924, %swap3A_925], %swap3A_928 {strides = array<i32>} : memref<8x64xf32, #tpu.memory_space<vmem>>, vector<1x16xf32>,
        %get3A_929 = arith.constant 2 : i32
        %get3A_930 = arith.index_cast %get3A_929 : i32 to index
        %get3A_931 = arith.constant 48 : index
        %get3A_932 = tpu.vector_load %arg7[%get3A_930, %get3A_931] {strides = array<i32>} : memref<8x64xf32, #tpu.memory_space<vmem>>, vector<1x16xf32>,
        %get3A_933 = vector.shape_cast %get3A_932 : vector<1x16xf32> to vector<16xf32>
        %add3A_934 = arith.constant 400 : i32
        %add3A_935 = arith.addi %add3A_934, %scan3A_730 : i32
        %get3A_936 = arith.index_cast %add3A_935 : i32 to index
        %get3A_937 = arith.constant 48 : index
        %get3A_938 = tpu.vector_load %arg6[%get3A_936, %get3A_937] {strides = array<i32>} : memref<1600x64xf32, #tpu.memory_space<vmem>>, vector<1x16xf32>,
        %get3A_939 = vector.shape_cast %get3A_938 : vector<1x16xf32> to vector<16xf32>
        %add3A_940 = arith.addf %get3A_933, %get3A_939 : vector<16xf32>
        %swap3A_941 = arith.constant 2 : i32
        %swap3A_942 = arith.index_cast %swap3A_941 : i32 to index
        %swap3A_943 = arith.constant 48 : index
        %swap3A_944 = tpu.vector_load %arg7[%swap3A_942, %swap3A_943] {strides = array<i32>} : memref<8x64xf32, #tpu.memory_space<vmem>>, vector<1x16xf32>,
        %swap3A_945 = vector.shape_cast %swap3A_944 : vector<1x16xf32> to vector<16xf32>
        %swap3A_946 = vector.shape_cast %add3A_940 : vector<16xf32> to vector<1x16xf32>
        tpu.vector_store %arg7[%swap3A_942, %swap3A_943], %swap3A_946 {strides = array<i32>} : memref<8x64xf32, #tpu.memory_space<vmem>>, vector<1x16xf32>,
        %get3A_947 = arith.constant 3 : i32
        %get3A_948 = arith.index_cast %get3A_947 : i32 to index
        %get3A_949 = arith.constant 0 : index
        %get3A_950 = tpu.vector_load %arg7[%get3A_948, %get3A_949] {strides = array<i32>} : memref<8x64xf32, #tpu.memory_space<vmem>>, vector<1x16xf32>,
        %get3A_951 = vector.shape_cast %get3A_950 : vector<1x16xf32> to vector<16xf32>
        %add3A_952 = arith.constant 600 : i32
        %add3A_953 = arith.addi %add3A_952, %scan3A_730 : i32
        %get3A_954 = arith.index_cast %add3A_953 : i32 to index
        %get3A_955 = arith.constant 0 : index
        %get3A_956 = tpu.vector_load %arg6[%get3A_954, %get3A_955] {strides = array<i32>} : memref<1600x64xf32, #tpu.memory_space<vmem>>, vector<1x16xf32>,
        %get3A_957 = vector.shape_cast %get3A_956 : vector<1x16xf32> to vector<16xf32>
        %add3A_958 = arith.addf %get3A_951, %get3A_957 : vector<16xf32>
        %swap3A_959 = arith.constant 3 : i32
        %swap3A_960 = arith.index_cast %swap3A_959 : i32 to index
        %swap3A_961 = arith.constant 0 : index
        %swap3A_962 = tpu.vector_load %arg7[%swap3A_960, %swap3A_961] {strides = array<i32>} : memref<8x64xf32, #tpu.memory_space<vmem>>, vector<1x16xf32>,
        %swap3A_963 = vector.shape_cast %swap3A_962 : vector<1x16xf32> to vector<16xf32>
        %swap3A_964 = vector.shape_cast %add3A_958 : vector<16xf32> to vector<1x16xf32>
        tpu.vector_store %arg7[%swap3A_960, %swap3A_961], %swap3A_964 {strides = array<i32>} : memref<8x64xf32, #tpu.memory_space<vmem>>, vector<1x16xf32>,
        %get3A_965 = arith.constant 3 : i32
        %get3A_966 = arith.index_cast %get3A_965 : i32 to index
        %get3A_967 = arith.constant 16 : index
        %get3A_968 = tpu.vector_load %arg7[%get3A_966, %get3A_967] {strides = array<i32>} : memref<8x64xf32, #tpu.memory_space<vmem>>, vector<1x16xf32>,
        %get3A_969 = vector.shape_cast %get3A_968 : vector<1x16xf32> to vector<16xf32>
        %add3A_970 = arith.constant 600 : i32
        %add3A_971 = arith.addi %add3A_970, %scan3A_730 : i32
        %get3A_972 = arith.index_cast %add3A_971 : i32 to index
        %get3A_973 = arith.constant 16 : index
        %get3A_974 = tpu.vector_load %arg6[%get3A_972, %get3A_973] {strides = array<i32>} : memref<1600x64xf32, #tpu.memory_space<vmem>>, vector<1x16xf32>,
        %get3A_975 = vector.shape_cast %get3A_974 : vector<1x16xf32> to vector<16xf32>
        %add3A_976 = arith.addf %get3A_969, %get3A_975 : vector<16xf32>
        %swap3A_977 = arith.constant 3 : i32
        %swap3A_978 = arith.index_cast %swap3A_977 : i32 to index
        %swap3A_979 = arith.constant 16 : index
        %swap3A_980 = tpu.vector_load %arg7[%swap3A_978, %swap3A_979] {strides = array<i32>} : memref<8x64xf32, #tpu.memory_space<vmem>>, vector<1x16xf32>,
        %swap3A_981 = vector.shape_cast %swap3A_980 : vector<1x16xf32> to vector<16xf32>
        %swap3A_982 = vector.shape_cast %add3A_976 : vector<16xf32> to vector<1x16xf32>
        tpu.vector_store %arg7[%swap3A_978, %swap3A_979], %swap3A_982 {strides = array<i32>} : memref<8x64xf32, #tpu.memory_space<vmem>>, vector<1x16xf32>,
        %get3A_983 = arith.constant 3 : i32
        %get3A_984 = arith.index_cast %get3A_983 : i32 to index
        %get3A_985 = arith.constant 32 : index
        %get3A_986 = tpu.vector_load %arg7[%get3A_984, %get3A_985] {strides = array<i32>} : memref<8x64xf32, #tpu.memory_space<vmem>>, vector<1x16xf32>,
        %get3A_987 = vector.shape_cast %get3A_986 : vector<1x16xf32> to vector<16xf32>
        %add3A_988 = arith.constant 600 : i32
        %add3A_989 = arith.addi %add3A_988, %scan3A_730 : i32
        %get3A_990 = arith.index_cast %add3A_989 : i32 to index
        %get3A_991 = arith.constant 32 : index
        %get3A_992 = tpu.vector_load %arg6[%get3A_990, %get3A_991] {strides = array<i32>} : memref<1600x64xf32, #tpu.memory_space<vmem>>, vector<1x16xf32>,
        %get3A_993 = vector.shape_cast %get3A_992 : vector<1x16xf32> to vector<16xf32>
        %add3A_994 = arith.addf %get3A_987, %get3A_993 : vector<16xf32>
        %swap3A_995 = arith.constant 3 : i32
        %swap3A_996 = arith.index_cast %swap3A_995 : i32 to index
        %swap3A_997 = arith.constant 32 : index
        %swap3A_998 = tpu.vector_load %arg7[%swap3A_996, %swap3A_997] {strides = array<i32>} : memref<8x64xf32, #tpu.memory_space<vmem>>, vector<1x16xf32>,
        %swap3A_999 = vector.shape_cast %swap3A_998 : vector<1x16xf32> to vector<16xf32>
        %swap3A_1000 = vector.shape_cast %add3A_994 : vector<16xf32> to vector<1x16xf32>
        tpu.vector_store %arg7[%swap3A_996, %swap3A_997], %swap3A_1000 {strides = array<i32>} : memref<8x64xf32, #tpu.memory_space<vmem>>, vector<1x16xf32>,
        %get3A_1001 = arith.constant 3 : i32
        %get3A_1002 = arith.index_cast %get3A_1001 : i32 to index
        %get3A_1003 = arith.constant 48 : index
        %get3A_1004 = tpu.vector_load %arg7[%get3A_1002, %get3A_1003] {strides = array<i32>} : memref<8x64xf32, #tpu.memory_space<vmem>>, vector<1x16xf32>,
        %get3A_1005 = vector.shape_cast %get3A_1004 : vector<1x16xf32> to vector<16xf32>
        %add3A_1006 = arith.constant 600 : i32
        %add3A_1007 = arith.addi %add3A_1006, %scan3A_730 : i32
        %get3A_1008 = arith.index_cast %add3A_1007 : i32 to index
        %get3A_1009 = arith.constant 48 : index
        %get3A_1010 = tpu.vector_load %arg6[%get3A_1008, %get3A_1009] {strides = array<i32>} : memref<1600x64xf32, #tpu.memory_space<vmem>>, vector<1x16xf32>,
        %get3A_1011 = vector.shape_cast %get3A_1010 : vector<1x16xf32> to vector<16xf32>
        %add3A_1012 = arith.addf %get3A_1005, %get3A_1011 : vector<16xf32>
        %swap3A_1013 = arith.constant 3 : i32
        %swap3A_1014 = arith.index_cast %swap3A_1013 : i32 to index
        %swap3A_1015 = arith.constant 48 : index
        %swap3A_1016 = tpu.vector_load %arg7[%swap3A_1014, %swap3A_1015] {strides = array<i32>} : memref<8x64xf32, #tpu.memory_space<vmem>>, vector<1x16xf32>,
        %swap3A_1017 = vector.shape_cast %swap3A_1016 : vector<1x16xf32> to vector<16xf32>
        %swap3A_1018 = vector.shape_cast %add3A_1012 : vector<16xf32> to vector<1x16xf32>
        tpu.vector_store %arg7[%swap3A_1014, %swap3A_1015], %swap3A_1018 {strides = array<i32>} : memref<8x64xf32, #tpu.memory_space<vmem>>, vector<1x16xf32>,
        %get3A_1019 = arith.constant 4 : i32
        %get3A_1020 = arith.index_cast %get3A_1019 : i32 to index
        %get3A_1021 = arith.constant 0 : index
        %get3A_1022 = tpu.vector_load %arg7[%get3A_1020, %get3A_1021] {strides = array<i32>} : memref<8x64xf32, #tpu.memory_space<vmem>>, vector<1x16xf32>,
        %get3A_1023 = vector.shape_cast %get3A_1022 : vector<1x16xf32> to vector<16xf32>
        %add3A_1024 = arith.constant 800 : i32
        %add3A_1025 = arith.addi %add3A_1024, %scan3A_730 : i32
        %get3A_1026 = arith.index_cast %add3A_1025 : i32 to index
        %get3A_1027 = arith.constant 0 : index
        %get3A_1028 = tpu.vector_load %arg6[%get3A_1026, %get3A_1027] {strides = array<i32>} : memref<1600x64xf32, #tpu.memory_space<vmem>>, vector<1x16xf32>,
        %get3A_1029 = vector.shape_cast %get3A_1028 : vector<1x16xf32> to vector<16xf32>
        %add3A_1030 = arith.addf %get3A_1023, %get3A_1029 : vector<16xf32>
        %swap3A_1031 = arith.constant 4 : i32
        %swap3A_1032 = arith.index_cast %swap3A_1031 : i32 to index
        %swap3A_1033 = arith.constant 0 : index
        %swap3A_1034 = tpu.vector_load %arg7[%swap3A_1032, %swap3A_1033] {strides = array<i32>} : memref<8x64xf32, #tpu.memory_space<vmem>>, vector<1x16xf32>,
        %swap3A_1035 = vector.shape_cast %swap3A_1034 : vector<1x16xf32> to vector<16xf32>
        %swap3A_1036 = vector.shape_cast %add3A_1030 : vector<16xf32> to vector<1x16xf32>
        tpu.vector_store %arg7[%swap3A_1032, %swap3A_1033], %swap3A_1036 {strides = array<i32>} : memref<8x64xf32, #tpu.memory_space<vmem>>, vector<1x16xf32>,
        %get3A_1037 = arith.constant 4 : i32
        %get3A_1038 = arith.index_cast %get3A_1037 : i32 to index
        %get3A_1039 = arith.constant 16 : index
        %get3A_1040 = tpu.vector_load %arg7[%get3A_1038, %get3A_1039] {strides = array<i32>} : memref<8x64xf32, #tpu.memory_space<vmem>>, vector<1x16xf32>,
        %get3A_1041 = vector.shape_cast %get3A_1040 : vector<1x16xf32> to vector<16xf32>
        %add3A_1042 = arith.constant 800 : i32
        %add3A_1043 = arith.addi %add3A_1042, %scan3A_730 : i32
        %get3A_1044 = arith.index_cast %add3A_1043 : i32 to index
        %get3A_1045 = arith.constant 16 : index
        %get3A_1046 = tpu.vector_load %arg6[%get3A_1044, %get3A_1045] {strides = array<i32>} : memref<1600x64xf32, #tpu.memory_space<vmem>>, vector<1x16xf32>,
        %get3A_1047 = vector.shape_cast %get3A_1046 : vector<1x16xf32> to vector<16xf32>
        %add3A_1048 = arith.addf %get3A_1041, %get3A_1047 : vector<16xf32>
        %swap3A_1049 = arith.constant 4 : i32
        %swap3A_1050 = arith.index_cast %swap3A_1049 : i32 to index
        %swap3A_1051 = arith.constant 16 : index
        %swap3A_1052 = tpu.vector_load %arg7[%swap3A_1050, %swap3A_1051] {strides = array<i32>} : memref<8x64xf32, #tpu.memory_space<vmem>>, vector<1x16xf32>,
        %swap3A_1053 = vector.shape_cast %swap3A_1052 : vector<1x16xf32> to vector<16xf32>
        %swap3A_1054 = vector.shape_cast %add3A_1048 : vector<16xf32> to vector<1x16xf32>
        tpu.vector_store %arg7[%swap3A_1050, %swap3A_1051], %swap3A_1054 {strides = array<i32>} : memref<8x64xf32, #tpu.memory_space<vmem>>, vector<1x16xf32>,
        %get3A_1055 = arith.constant 4 : i32
        %get3A_1056 = arith.index_cast %get3A_1055 : i32 to index
        %get3A_1057 = arith.constant 32 : index
        %get3A_1058 = tpu.vector_load %arg7[%get3A_1056, %get3A_1057] {strides = array<i32>} : memref<8x64xf32, #tpu.memory_space<vmem>>, vector<1x16xf32>,
        %get3A_1059 = vector.shape_cast %get3A_1058 : vector<1x16xf32> to vector<16xf32>
        %add3A_1060 = arith.constant 800 : i32
        %add3A_1061 = arith.addi %add3A_1060, %scan3A_730 : i32
        %get3A_1062 = arith.index_cast %add3A_1061 : i32 to index
        %get3A_1063 = arith.constant 32 : index
        %get3A_1064 = tpu.vector_load %arg6[%get3A_1062, %get3A_1063] {strides = array<i32>} : memref<1600x64xf32, #tpu.memory_space<vmem>>, vector<1x16xf32>,
        %get3A_1065 = vector.shape_cast %get3A_1064 : vector<1x16xf32> to vector<16xf32>
        %add3A_1066 = arith.addf %get3A_1059, %get3A_1065 : vector<16xf32>
        %swap3A_1067 = arith.constant 4 : i32
        %swap3A_1068 = arith.index_cast %swap3A_1067 : i32 to index
        %swap3A_1069 = arith.constant 32 : index
        %swap3A_1070 = tpu.vector_load %arg7[%swap3A_1068, %swap3A_1069] {strides = array<i32>} : memref<8x64xf32, #tpu.memory_space<vmem>>, vector<1x16xf32>,
        %swap3A_1071 = vector.shape_cast %swap3A_1070 : vector<1x16xf32> to vector<16xf32>
        %swap3A_1072 = vector.shape_cast %add3A_1066 : vector<16xf32> to vector<1x16xf32>
        tpu.vector_store %arg7[%swap3A_1068, %swap3A_1069], %swap3A_1072 {strides = array<i32>} : memref<8x64xf32, #tpu.memory_space<vmem>>, vector<1x16xf32>,
        %get3A_1073 = arith.constant 4 : i32
        %get3A_1074 = arith.index_cast %get3A_1073 : i32 to index
        %get3A_1075 = arith.constant 48 : index
        %get3A_1076 = tpu.vector_load %arg7[%get3A_1074, %get3A_1075] {strides = array<i32>} : memref<8x64xf32, #tpu.memory_space<vmem>>, vector<1x16xf32>,
        %get3A_1077 = vector.shape_cast %get3A_1076 : vector<1x16xf32> to vector<16xf32>
        %add3A_1078 = arith.constant 800 : i32
        %add3A_1079 = arith.addi %add3A_1078, %scan3A_730 : i32
        %get3A_1080 = arith.index_cast %add3A_1079 : i32 to index
        %get3A_1081 = arith.constant 48 : index
        %get3A_1082 = tpu.vector_load %arg6[%get3A_1080, %get3A_1081] {strides = array<i32>} : memref<1600x64xf32, #tpu.memory_space<vmem>>, vector<1x16xf32>,
        %get3A_1083 = vector.shape_cast %get3A_1082 : vector<1x16xf32> to vector<16xf32>
        %add3A_1084 = arith.addf %get3A_1077, %get3A_1083 : vector<16xf32>
        %swap3A_1085 = arith.constant 4 : i32
        %swap3A_1086 = arith.index_cast %swap3A_1085 : i32 to index
        %swap3A_1087 = arith.constant 48 : index
        %swap3A_1088 = tpu.vector_load %arg7[%swap3A_1086, %swap3A_1087] {strides = array<i32>} : memref<8x64xf32, #tpu.memory_space<vmem>>, vector<1x16xf32>,
        %swap3A_1089 = vector.shape_cast %swap3A_1088 : vector<1x16xf32> to vector<16xf32>
        %swap3A_1090 = vector.shape_cast %add3A_1084 : vector<16xf32> to vector<1x16xf32>
        tpu.vector_store %arg7[%swap3A_1086, %swap3A_1087], %swap3A_1090 {strides = array<i32>} : memref<8x64xf32, #tpu.memory_space<vmem>>, vector<1x16xf32>,
        %get3A_1091 = arith.constant 5 : i32
        %get3A_1092 = arith.index_cast %get3A_1091 : i32 to index
        %get3A_1093 = arith.constant 0 : index
        %get3A_1094 = tpu.vector_load %arg7[%get3A_1092, %get3A_1093] {strides = array<i32>} : memref<8x64xf32, #tpu.memory_space<vmem>>, vector<1x16xf32>,
        %get3A_1095 = vector.shape_cast %get3A_1094 : vector<1x16xf32> to vector<16xf32>
        %add3A_1096 = arith.constant 1000 : i32
        %add3A_1097 = arith.addi %add3A_1096, %scan3A_730 : i32
        %get3A_1098 = arith.index_cast %add3A_1097 : i32 to index
        %get3A_1099 = arith.constant 0 : index
        %get3A_1100 = tpu.vector_load %arg6[%get3A_1098, %get3A_1099] {strides = array<i32>} : memref<1600x64xf32, #tpu.memory_space<vmem>>, vector<1x16xf32>,
        %get3A_1101 = vector.shape_cast %get3A_1100 : vector<1x16xf32> to vector<16xf32>
        %add3A_1102 = arith.addf %get3A_1095, %get3A_1101 : vector<16xf32>
        %swap3A_1103 = arith.constant 5 : i32
        %swap3A_1104 = arith.index_cast %swap3A_1103 : i32 to index
        %swap3A_1105 = arith.constant 0 : index
        %swap3A_1106 = tpu.vector_load %arg7[%swap3A_1104, %swap3A_1105] {strides = array<i32>} : memref<8x64xf32, #tpu.memory_space<vmem>>, vector<1x16xf32>,
        %swap3A_1107 = vector.shape_cast %swap3A_1106 : vector<1x16xf32> to vector<16xf32>
        %swap3A_1108 = vector.shape_cast %add3A_1102 : vector<16xf32> to vector<1x16xf32>
        tpu.vector_store %arg7[%swap3A_1104, %swap3A_1105], %swap3A_1108 {strides = array<i32>} : memref<8x64xf32, #tpu.memory_space<vmem>>, vector<1x16xf32>,
        %get3A_1109 = arith.constant 5 : i32
        %get3A_1110 = arith.index_cast %get3A_1109 : i32 to index
        %get3A_1111 = arith.constant 16 : index
        %get3A_1112 = tpu.vector_load %arg7[%get3A_1110, %get3A_1111] {strides = array<i32>} : memref<8x64xf32, #tpu.memory_space<vmem>>, vector<1x16xf32>,
        %get3A_1113 = vector.shape_cast %get3A_1112 : vector<1x16xf32> to vector<16xf32>
        %add3A_1114 = arith.constant 1000 : i32
        %add3A_1115 = arith.addi %add3A_1114, %scan3A_730 : i32
        %get3A_1116 = arith.index_cast %add3A_1115 : i32 to index
        %get3A_1117 = arith.constant 16 : index
        %get3A_1118 = tpu.vector_load %arg6[%get3A_1116, %get3A_1117] {strides = array<i32>} : memref<1600x64xf32, #tpu.memory_space<vmem>>, vector<1x16xf32>,
        %get3A_1119 = vector.shape_cast %get3A_1118 : vector<1x16xf32> to vector<16xf32>
        %add3A_1120 = arith.addf %get3A_1113, %get3A_1119 : vector<16xf32>
        %swap3A_1121 = arith.constant 5 : i32
        %swap3A_1122 = arith.index_cast %swap3A_1121 : i32 to index
        %swap3A_1123 = arith.constant 16 : index
        %swap3A_1124 = tpu.vector_load %arg7[%swap3A_1122, %swap3A_1123] {strides = array<i32>} : memref<8x64xf32, #tpu.memory_space<vmem>>, vector<1x16xf32>,
        %swap3A_1125 = vector.shape_cast %swap3A_1124 : vector<1x16xf32> to vector<16xf32>
        %swap3A_1126 = vector.shape_cast %add3A_1120 : vector<16xf32> to vector<1x16xf32>
        tpu.vector_store %arg7[%swap3A_1122, %swap3A_1123], %swap3A_1126 {strides = array<i32>} : memref<8x64xf32, #tpu.memory_space<vmem>>, vector<1x16xf32>,
        %get3A_1127 = arith.constant 5 : i32
        %get3A_1128 = arith.index_cast %get3A_1127 : i32 to index
        %get3A_1129 = arith.constant 32 : index
        %get3A_1130 = tpu.vector_load %arg7[%get3A_1128, %get3A_1129] {strides = array<i32>} : memref<8x64xf32, #tpu.memory_space<vmem>>, vector<1x16xf32>,
        %get3A_1131 = vector.shape_cast %get3A_1130 : vector<1x16xf32> to vector<16xf32>
        %add3A_1132 = arith.constant 1000 : i32
        %add3A_1133 = arith.addi %add3A_1132, %scan3A_730 : i32
        %get3A_1134 = arith.index_cast %add3A_1133 : i32 to index
        %get3A_1135 = arith.constant 32 : index
        %get3A_1136 = tpu.vector_load %arg6[%get3A_1134, %get3A_1135] {strides = array<i32>} : memref<1600x64xf32, #tpu.memory_space<vmem>>, vector<1x16xf32>,
        %get3A_1137 = vector.shape_cast %get3A_1136 : vector<1x16xf32> to vector<16xf32>
        %add3A_1138 = arith.addf %get3A_1131, %get3A_1137 : vector<16xf32>
        %swap3A_1139 = arith.constant 5 : i32
        %swap3A_1140 = arith.index_cast %swap3A_1139 : i32 to index
        %swap3A_1141 = arith.constant 32 : index
        %swap3A_1142 = tpu.vector_load %arg7[%swap3A_1140, %swap3A_1141] {strides = array<i32>} : memref<8x64xf32, #tpu.memory_space<vmem>>, vector<1x16xf32>,
        %swap3A_1143 = vector.shape_cast %swap3A_1142 : vector<1x16xf32> to vector<16xf32>
        %swap3A_1144 = vector.shape_cast %add3A_1138 : vector<16xf32> to vector<1x16xf32>
        tpu.vector_store %arg7[%swap3A_1140, %swap3A_1141], %swap3A_1144 {strides = array<i32>} : memref<8x64xf32, #tpu.memory_space<vmem>>, vector<1x16xf32>,
        %get3A_1145 = arith.constant 5 : i32
        %get3A_1146 = arith.index_cast %get3A_1145 : i32 to index
        %get3A_1147 = arith.constant 48 : index
        %get3A_1148 = tpu.vector_load %arg7[%get3A_1146, %get3A_1147] {strides = array<i32>} : memref<8x64xf32, #tpu.memory_space<vmem>>, vector<1x16xf32>,
        %get3A_1149 = vector.shape_cast %get3A_1148 : vector<1x16xf32> to vector<16xf32>
        %add3A_1150 = arith.constant 1000 : i32
        %add3A_1151 = arith.addi %add3A_1150, %scan3A_730 : i32
        %get3A_1152 = arith.index_cast %add3A_1151 : i32 to index
        %get3A_1153 = arith.constant 48 : index
        %get3A_1154 = tpu.vector_load %arg6[%get3A_1152, %get3A_1153] {strides = array<i32>} : memref<1600x64xf32, #tpu.memory_space<vmem>>, vector<1x16xf32>,
        %get3A_1155 = vector.shape_cast %get3A_1154 : vector<1x16xf32> to vector<16xf32>
        %add3A_1156 = arith.addf %get3A_1149, %get3A_1155 : vector<16xf32>
        %swap3A_1157 = arith.constant 5 : i32
        %swap3A_1158 = arith.index_cast %swap3A_1157 : i32 to index
        %swap3A_1159 = arith.constant 48 : index
        %swap3A_1160 = tpu.vector_load %arg7[%swap3A_1158, %swap3A_1159] {strides = array<i32>} : memref<8x64xf32, #tpu.memory_space<vmem>>, vector<1x16xf32>,
        %swap3A_1161 = vector.shape_cast %swap3A_1160 : vector<1x16xf32> to vector<16xf32>
        %swap3A_1162 = vector.shape_cast %add3A_1156 : vector<16xf32> to vector<1x16xf32>
        tpu.vector_store %arg7[%swap3A_1158, %swap3A_1159], %swap3A_1162 {strides = array<i32>} : memref<8x64xf32, #tpu.memory_space<vmem>>, vector<1x16xf32>,
        %get3A_1163 = arith.constant 6 : i32
        %get3A_1164 = arith.index_cast %get3A_1163 : i32 to index
        %get3A_1165 = arith.constant 0 : index
        %get3A_1166 = tpu.vector_load %arg7[%get3A_1164, %get3A_1165] {strides = array<i32>} : memref<8x64xf32, #tpu.memory_space<vmem>>, vector<1x16xf32>,
        %get3A_1167 = vector.shape_cast %get3A_1166 : vector<1x16xf32> to vector<16xf32>
        %add3A_1168 = arith.constant 1200 : i32
        %add3A_1169 = arith.addi %add3A_1168, %scan3A_730 : i32
        %get3A_1170 = arith.index_cast %add3A_1169 : i32 to index
        %get3A_1171 = arith.constant 0 : index
        %get3A_1172 = tpu.vector_load %arg6[%get3A_1170, %get3A_1171] {strides = array<i32>} : memref<1600x64xf32, #tpu.memory_space<vmem>>, vector<1x16xf32>,
        %get3A_1173 = vector.shape_cast %get3A_1172 : vector<1x16xf32> to vector<16xf32>
        %add3A_1174 = arith.addf %get3A_1167, %get3A_1173 : vector<16xf32>
        %swap3A_1175 = arith.constant 6 : i32
        %swap3A_1176 = arith.index_cast %swap3A_1175 : i32 to index
        %swap3A_1177 = arith.constant 0 : index
        %swap3A_1178 = tpu.vector_load %arg7[%swap3A_1176, %swap3A_1177] {strides = array<i32>} : memref<8x64xf32, #tpu.memory_space<vmem>>, vector<1x16xf32>,
        %swap3A_1179 = vector.shape_cast %swap3A_1178 : vector<1x16xf32> to vector<16xf32>
        %swap3A_1180 = vector.shape_cast %add3A_1174 : vector<16xf32> to vector<1x16xf32>
        tpu.vector_store %arg7[%swap3A_1176, %swap3A_1177], %swap3A_1180 {strides = array<i32>} : memref<8x64xf32, #tpu.memory_space<vmem>>, vector<1x16xf32>,
        %get3A_1181 = arith.constant 6 : i32
        %get3A_1182 = arith.index_cast %get3A_1181 : i32 to index
        %get3A_1183 = arith.constant 16 : index
        %get3A_1184 = tpu.vector_load %arg7[%get3A_1182, %get3A_1183] {strides = array<i32>} : memref<8x64xf32, #tpu.memory_space<vmem>>, vector<1x16xf32>,
        %get3A_1185 = vector.shape_cast %get3A_1184 : vector<1x16xf32> to vector<16xf32>
        %add3A_1186 = arith.constant 1200 : i32
        %add3A_1187 = arith.addi %add3A_1186, %scan3A_730 : i32
        %get3A_1188 = arith.index_cast %add3A_1187 : i32 to index
        %get3A_1189 = arith.constant 16 : index
        %get3A_1190 = tpu.vector_load %arg6[%get3A_1188, %get3A_1189] {strides = array<i32>} : memref<1600x64xf32, #tpu.memory_space<vmem>>, vector<1x16xf32>,
        %get3A_1191 = vector.shape_cast %get3A_1190 : vector<1x16xf32> to vector<16xf32>
        %add3A_1192 = arith.addf %get3A_1185, %get3A_1191 : vector<16xf32>
        %swap3A_1193 = arith.constant 6 : i32
        %swap3A_1194 = arith.index_cast %swap3A_1193 : i32 to index
        %swap3A_1195 = arith.constant 16 : index
        %swap3A_1196 = tpu.vector_load %arg7[%swap3A_1194, %swap3A_1195] {strides = array<i32>} : memref<8x64xf32, #tpu.memory_space<vmem>>, vector<1x16xf32>,
        %swap3A_1197 = vector.shape_cast %swap3A_1196 : vector<1x16xf32> to vector<16xf32>
        %swap3A_1198 = vector.shape_cast %add3A_1192 : vector<16xf32> to vector<1x16xf32>
        tpu.vector_store %arg7[%swap3A_1194, %swap3A_1195], %swap3A_1198 {strides = array<i32>} : memref<8x64xf32, #tpu.memory_space<vmem>>, vector<1x16xf32>,
        %get3A_1199 = arith.constant 6 : i32
        %get3A_1200 = arith.index_cast %get3A_1199 : i32 to index
        %get3A_1201 = arith.constant 32 : index
        %get3A_1202 = tpu.vector_load %arg7[%get3A_1200, %get3A_1201] {strides = array<i32>} : memref<8x64xf32, #tpu.memory_space<vmem>>, vector<1x16xf32>,
        %get3A_1203 = vector.shape_cast %get3A_1202 : vector<1x16xf32> to vector<16xf32>
        %add3A_1204 = arith.constant 1200 : i32
        %add3A_1205 = arith.addi %add3A_1204, %scan3A_730 : i32
        %get3A_1206 = arith.index_cast %add3A_1205 : i32 to index
        %get3A_1207 = arith.constant 32 : index
        %get3A_1208 = tpu.vector_load %arg6[%get3A_1206, %get3A_1207] {strides = array<i32>} : memref<1600x64xf32, #tpu.memory_space<vmem>>, vector<1x16xf32>,
        %get3A_1209 = vector.shape_cast %get3A_1208 : vector<1x16xf32> to vector<16xf32>
        %add3A_1210 = arith.addf %get3A_1203, %get3A_1209 : vector<16xf32>
        %swap3A_1211 = arith.constant 6 : i32
        %swap3A_1212 = arith.index_cast %swap3A_1211 : i32 to index
        %swap3A_1213 = arith.constant 32 : index
        %swap3A_1214 = tpu.vector_load %arg7[%swap3A_1212, %swap3A_1213] {strides = array<i32>} : memref<8x64xf32, #tpu.memory_space<vmem>>, vector<1x16xf32>,
        %swap3A_1215 = vector.shape_cast %swap3A_1214 : vector<1x16xf32> to vector<16xf32>
        %swap3A_1216 = vector.shape_cast %add3A_1210 : vector<16xf32> to vector<1x16xf32>
        tpu.vector_store %arg7[%swap3A_1212, %swap3A_1213], %swap3A_1216 {strides = array<i32>} : memref<8x64xf32, #tpu.memory_space<vmem>>, vector<1x16xf32>,
        %get3A_1217 = arith.constant 6 : i32
        %get3A_1218 = arith.index_cast %get3A_1217 : i32 to index
        %get3A_1219 = arith.constant 48 : index
        %get3A_1220 = tpu.vector_load %arg7[%get3A_1218, %get3A_1219] {strides = array<i32>} : memref<8x64xf32, #tpu.memory_space<vmem>>, vector<1x16xf32>,
        %get3A_1221 = vector.shape_cast %get3A_1220 : vector<1x16xf32> to vector<16xf32>
        %add3A_1222 = arith.constant 1200 : i32
        %add3A_1223 = arith.addi %add3A_1222, %scan3A_730 : i32
        %get3A_1224 = arith.index_cast %add3A_1223 : i32 to index
        %get3A_1225 = arith.constant 48 : index
        %get3A_1226 = tpu.vector_load %arg6[%get3A_1224, %get3A_1225] {strides = array<i32>} : memref<1600x64xf32, #tpu.memory_space<vmem>>, vector<1x16xf32>,
        %get3A_1227 = vector.shape_cast %get3A_1226 : vector<1x16xf32> to vector<16xf32>
        %add3A_1228 = arith.addf %get3A_1221, %get3A_1227 : vector<16xf32>
        %swap3A_1229 = arith.constant 6 : i32
        %swap3A_1230 = arith.index_cast %swap3A_1229 : i32 to index
        %swap3A_1231 = arith.constant 48 : index
        %swap3A_1232 = tpu.vector_load %arg7[%swap3A_1230, %swap3A_1231] {strides = array<i32>} : memref<8x64xf32, #tpu.memory_space<vmem>>, vector<1x16xf32>,
        %swap3A_1233 = vector.shape_cast %swap3A_1232 : vector<1x16xf32> to vector<16xf32>
        %swap3A_1234 = vector.shape_cast %add3A_1228 : vector<16xf32> to vector<1x16xf32>
        tpu.vector_store %arg7[%swap3A_1230, %swap3A_1231], %swap3A_1234 {strides = array<i32>} : memref<8x64xf32, #tpu.memory_space<vmem>>, vector<1x16xf32>,
        %get3A_1235 = arith.constant 7 : i32
        %get3A_1236 = arith.index_cast %get3A_1235 : i32 to index
        %get3A_1237 = arith.constant 0 : index
        %get3A_1238 = tpu.vector_load %arg7[%get3A_1236, %get3A_1237] {strides = array<i32>} : memref<8x64xf32, #tpu.memory_space<vmem>>, vector<1x16xf32>,
        %get3A_1239 = vector.shape_cast %get3A_1238 : vector<1x16xf32> to vector<16xf32>
        %add3A_1240 = arith.constant 1400 : i32
        %add3A_1241 = arith.addi %add3A_1240, %scan3A_730 : i32
        %get3A_1242 = arith.index_cast %add3A_1241 : i32 to index
        %get3A_1243 = arith.constant 0 : index
        %get3A_1244 = tpu.vector_load %arg6[%get3A_1242, %get3A_1243] {strides = array<i32>} : memref<1600x64xf32, #tpu.memory_space<vmem>>, vector<1x16xf32>,
        %get3A_1245 = vector.shape_cast %get3A_1244 : vector<1x16xf32> to vector<16xf32>
        %add3A_1246 = arith.addf %get3A_1239, %get3A_1245 : vector<16xf32>
        %swap3A_1247 = arith.constant 7 : i32
        %swap3A_1248 = arith.index_cast %swap3A_1247 : i32 to index
        %swap3A_1249 = arith.constant 0 : index
        %swap3A_1250 = tpu.vector_load %arg7[%swap3A_1248, %swap3A_1249] {strides = array<i32>} : memref<8x64xf32, #tpu.memory_space<vmem>>, vector<1x16xf32>,
        %swap3A_1251 = vector.shape_cast %swap3A_1250 : vector<1x16xf32> to vector<16xf32>
        %swap3A_1252 = vector.shape_cast %add3A_1246 : vector<16xf32> to vector<1x16xf32>
        tpu.vector_store %arg7[%swap3A_1248, %swap3A_1249], %swap3A_1252 {strides = array<i32>} : memref<8x64xf32, #tpu.memory_space<vmem>>, vector<1x16xf32>,
        %get3A_1253 = arith.constant 7 : i32
        %get3A_1254 = arith.index_cast %get3A_1253 : i32 to index
        %get3A_1255 = arith.constant 16 : index
        %get3A_1256 = tpu.vector_load %arg7[%get3A_1254, %get3A_1255] {strides = array<i32>} : memref<8x64xf32, #tpu.memory_space<vmem>>, vector<1x16xf32>,
        %get3A_1257 = vector.shape_cast %get3A_1256 : vector<1x16xf32> to vector<16xf32>
        %add3A_1258 = arith.constant 1400 : i32
        %add3A_1259 = arith.addi %add3A_1258, %scan3A_730 : i32
        %get3A_1260 = arith.index_cast %add3A_1259 : i32 to index
        %get3A_1261 = arith.constant 16 : index
        %get3A_1262 = tpu.vector_load %arg6[%get3A_1260, %get3A_1261] {strides = array<i32>} : memref<1600x64xf32, #tpu.memory_space<vmem>>, vector<1x16xf32>,
        %get3A_1263 = vector.shape_cast %get3A_1262 : vector<1x16xf32> to vector<16xf32>
        %add3A_1264 = arith.addf %get3A_1257, %get3A_1263 : vector<16xf32>
        %swap3A_1265 = arith.constant 7 : i32
        %swap3A_1266 = arith.index_cast %swap3A_1265 : i32 to index
        %swap3A_1267 = arith.constant 16 : index
        %swap3A_1268 = tpu.vector_load %arg7[%swap3A_1266, %swap3A_1267] {strides = array<i32>} : memref<8x64xf32, #tpu.memory_space<vmem>>, vector<1x16xf32>,
        %swap3A_1269 = vector.shape_cast %swap3A_1268 : vector<1x16xf32> to vector<16xf32>
        %swap3A_1270 = vector.shape_cast %add3A_1264 : vector<16xf32> to vector<1x16xf32>
        tpu.vector_store %arg7[%swap3A_1266, %swap3A_1267], %swap3A_1270 {strides = array<i32>} : memref<8x64xf32, #tpu.memory_space<vmem>>, vector<1x16xf32>,
        %get3A_1271 = arith.constant 7 : i32
        %get3A_1272 = arith.index_cast %get3A_1271 : i32 to index
        %get3A_1273 = arith.constant 32 : index
        %get3A_1274 = tpu.vector_load %arg7[%get3A_1272, %get3A_1273] {strides = array<i32>} : memref<8x64xf32, #tpu.memory_space<vmem>>, vector<1x16xf32>,
        %get3A_1275 = vector.shape_cast %get3A_1274 : vector<1x16xf32> to vector<16xf32>
        %add3A_1276 = arith.constant 1400 : i32
        %add3A_1277 = arith.addi %add3A_1276, %scan3A_730 : i32
        %get3A_1278 = arith.index_cast %add3A_1277 : i32 to index
        %get3A_1279 = arith.constant 32 : index
        %get3A_1280 = tpu.vector_load %arg6[%get3A_1278, %get3A_1279] {strides = array<i32>} : memref<1600x64xf32, #tpu.memory_space<vmem>>, vector<1x16xf32>,
        %get3A_1281 = vector.shape_cast %get3A_1280 : vector<1x16xf32> to vector<16xf32>
        %add3A_1282 = arith.addf %get3A_1275, %get3A_1281 : vector<16xf32>
        %swap3A_1283 = arith.constant 7 : i32
        %swap3A_1284 = arith.index_cast %swap3A_1283 : i32 to index
        %swap3A_1285 = arith.constant 32 : index
        %swap3A_1286 = tpu.vector_load %arg7[%swap3A_1284, %swap3A_1285] {strides = array<i32>} : memref<8x64xf32, #tpu.memory_space<vmem>>, vector<1x16xf32>,
        %swap3A_1287 = vector.shape_cast %swap3A_1286 : vector<1x16xf32> to vector<16xf32>
        %swap3A_1288 = vector.shape_cast %add3A_1282 : vector<16xf32> to vector<1x16xf32>
        tpu.vector_store %arg7[%swap3A_1284, %swap3A_1285], %swap3A_1288 {strides = array<i32>} : memref<8x64xf32, #tpu.memory_space<vmem>>, vector<1x16xf32>,
        %get3A_1289 = arith.constant 7 : i32
        %get3A_1290 = arith.index_cast %get3A_1289 : i32 to index
        %get3A_1291 = arith.constant 48 : index
        %get3A_1292 = tpu.vector_load %arg7[%get3A_1290, %get3A_1291] {strides = array<i32>} : memref<8x64xf32, #tpu.memory_space<vmem>>, vector<1x16xf32>,
        %get3A_1293 = vector.shape_cast %get3A_1292 : vector<1x16xf32> to vector<16xf32>
        %add3A_1294 = arith.constant 1400 : i32
        %add3A_1295 = arith.addi %add3A_1294, %scan3A_730 : i32
        %get3A_1296 = arith.index_cast %add3A_1295 : i32 to index
        %get3A_1297 = arith.constant 48 : index
        %get3A_1298 = tpu.vector_load %arg6[%get3A_1296, %get3A_1297] {strides = array<i32>} : memref<1600x64xf32, #tpu.memory_space<vmem>>, vector<1x16xf32>,
        %get3A_1299 = vector.shape_cast %get3A_1298 : vector<1x16xf32> to vector<16xf32>
        %add3A_1300 = arith.addf %get3A_1293, %get3A_1299 : vector<16xf32>
        %swap3A_1301 = arith.constant 7 : i32
        %swap3A_1302 = arith.index_cast %swap3A_1301 : i32 to index
        %swap3A_1303 = arith.constant 48 : index
        %swap3A_1304 = tpu.vector_load %arg7[%swap3A_1302, %swap3A_1303] {strides = array<i32>} : memref<8x64xf32, #tpu.memory_space<vmem>>, vector<1x16xf32>,
        %swap3A_1305 = vector.shape_cast %swap3A_1304 : vector<1x16xf32> to vector<16xf32>
        %swap3A_1306 = vector.shape_cast %add3A_1300 : vector<16xf32> to vector<1x16xf32>
        tpu.vector_store %arg7[%swap3A_1302, %swap3A_1303], %swap3A_1306 {strides = array<i32>} : memref<8x64xf32, #tpu.memory_space<vmem>>, vector<1x16xf32>,
      }
      %scan3A_277 = arith.constant 200 : i32
      %get3A = arith.constant 0 : i32
      %get3A_278 = arith.index_cast %get3A : i32 to index
      %get3A_279 = arith.constant 0 : index
      %get3A_280 = tpu.vector_load %arg7[%get3A_278, %get3A_279] {strides = array<i32>} : memref<8x64xf32, #tpu.memory_space<vmem>>, vector<1x16xf32>,
      %get3A_281 = vector.shape_cast %get3A_280 : vector<1x16xf32> to vector<16xf32>
      %mul3A_282 = arith.constant 5.000000e-03 : f32
      %mul3A_283 = vector.broadcast %mul3A_282 : f32 to vector<16xf32>
      %mul3A_284 = arith.mulf %get3A_281, %mul3A_283 : vector<16xf32>
      %swap3A_285 = arith.constant 0 : i32
      %swap3A_286 = arith.index_cast %swap3A_285 : i32 to index
      %swap3A_287 = arith.constant 0 : index
      %swap3A_288 = tpu.vector_load %arg7[%swap3A_286, %swap3A_287] {strides = array<i32>} : memref<8x64xf32, #tpu.memory_space<vmem>>, vector<1x16xf32>,
      %swap3A_289 = vector.shape_cast %swap3A_288 : vector<1x16xf32> to vector<16xf32>
      %swap3A_290 = vector.shape_cast %mul3A_284 : vector<16xf32> to vector<1x16xf32>
      tpu.vector_store %arg7[%swap3A_286, %swap3A_287], %swap3A_290 {strides = array<i32>} : memref<8x64xf32, #tpu.memory_space<vmem>>, vector<1x16xf32>,
      %get3A_291 = arith.constant 0 : i32
      %get3A_292 = arith.index_cast %get3A_291 : i32 to index
      %get3A_293 = arith.constant 16 : index
      %get3A_294 = tpu.vector_load %arg7[%get3A_292, %get3A_293] {strides = array<i32>} : memref<8x64xf32, #tpu.memory_space<vmem>>, vector<1x16xf32>,
      %get3A_295 = vector.shape_cast %get3A_294 : vector<1x16xf32> to vector<16xf32>
      %mul3A_296 = arith.constant 5.000000e-03 : f32
      %mul3A_297 = vector.broadcast %mul3A_296 : f32 to vector<16xf32>
      %mul3A_298 = arith.mulf %get3A_295, %mul3A_297 : vector<16xf32>
      %swap3A_299 = arith.constant 0 : i32
      %swap3A_300 = arith.index_cast %swap3A_299 : i32 to index
      %swap3A_301 = arith.constant 16 : index
      %swap3A_302 = tpu.vector_load %arg7[%swap3A_300, %swap3A_301] {strides = array<i32>} : memref<8x64xf32, #tpu.memory_space<vmem>>, vector<1x16xf32>,
      %swap3A_303 = vector.shape_cast %swap3A_302 : vector<1x16xf32> to vector<16xf32>
      %swap3A_304 = vector.shape_cast %mul3A_298 : vector<16xf32> to vector<1x16xf32>
      tpu.vector_store %arg7[%swap3A_300, %swap3A_301], %swap3A_304 {strides = array<i32>} : memref<8x64xf32, #tpu.memory_space<vmem>>, vector<1x16xf32>,
      %get3A_305 = arith.constant 0 : i32
      %get3A_306 = arith.index_cast %get3A_305 : i32 to index
      %get3A_307 = arith.constant 32 : index
      %get3A_308 = tpu.vector_load %arg7[%get3A_306, %get3A_307] {strides = array<i32>} : memref<8x64xf32, #tpu.memory_space<vmem>>, vector<1x16xf32>,
      %get3A_309 = vector.shape_cast %get3A_308 : vector<1x16xf32> to vector<16xf32>
      %mul3A_310 = arith.constant 5.000000e-03 : f32
      %mul3A_311 = vector.broadcast %mul3A_310 : f32 to vector<16xf32>
      %mul3A_312 = arith.mulf %get3A_309, %mul3A_311 : vector<16xf32>
      %swap3A_313 = arith.constant 0 : i32
      %swap3A_314 = arith.index_cast %swap3A_313 : i32 to index
      %swap3A_315 = arith.constant 32 : index
      %swap3A_316 = tpu.vector_load %arg7[%swap3A_314, %swap3A_315] {strides = array<i32>} : memref<8x64xf32, #tpu.memory_space<vmem>>, vector<1x16xf32>,
      %swap3A_317 = vector.shape_cast %swap3A_316 : vector<1x16xf32> to vector<16xf32>
      %swap3A_318 = vector.shape_cast %mul3A_312 : vector<16xf32> to vector<1x16xf32>
      tpu.vector_store %arg7[%swap3A_314, %swap3A_315], %swap3A_318 {strides = array<i32>} : memref<8x64xf32, #tpu.memory_space<vmem>>, vector<1x16xf32>,
      %get3A_319 = arith.constant 0 : i32
      %get3A_320 = arith.index_cast %get3A_319 : i32 to index
      %get3A_321 = arith.constant 48 : index
      %get3A_322 = tpu.vector_load %arg7[%get3A_320, %get3A_321] {strides = array<i32>} : memref<8x64xf32, #tpu.memory_space<vmem>>, vector<1x16xf32>,
      %get3A_323 = vector.shape_cast %get3A_322 : vector<1x16xf32> to vector<16xf32>
      %mul3A_324 = arith.constant 5.000000e-03 : f32
      %mul3A_325 = vector.broadcast %mul3A_324 : f32 to vector<16xf32>
      %mul3A_326 = arith.mulf %get3A_323, %mul3A_325 : vector<16xf32>
      %swap3A_327 = arith.constant 0 : i32
      %swap3A_328 = arith.index_cast %swap3A_327 : i32 to index
      %swap3A_329 = arith.constant 48 : index
      %swap3A_330 = tpu.vector_load %arg7[%swap3A_328, %swap3A_329] {strides = array<i32>} : memref<8x64xf32, #tpu.memory_space<vmem>>, vector<1x16xf32>,
      %swap3A_331 = vector.shape_cast %swap3A_330 : vector<1x16xf32> to vector<16xf32>
      %swap3A_332 = vector.shape_cast %mul3A_326 : vector<16xf32> to vector<1x16xf32>
      tpu.vector_store %arg7[%swap3A_328, %swap3A_329], %swap3A_332 {strides = array<i32>} : memref<8x64xf32, #tpu.memory_space<vmem>>, vector<1x16xf32>,
      %get3A_333 = arith.constant 1 : i32
      %get3A_334 = arith.index_cast %get3A_333 : i32 to index
      %get3A_335 = arith.constant 0 : index
      %get3A_336 = tpu.vector_load %arg7[%get3A_334, %get3A_335] {strides = array<i32>} : memref<8x64xf32, #tpu.memory_space<vmem>>, vector<1x16xf32>,
      %get3A_337 = vector.shape_cast %get3A_336 : vector<1x16xf32> to vector<16xf32>
      %mul3A_338 = arith.constant 5.000000e-03 : f32
      %mul3A_339 = vector.broadcast %mul3A_338 : f32 to vector<16xf32>
      %mul3A_340 = arith.mulf %get3A_337, %mul3A_339 : vector<16xf32>
      %swap3A_341 = arith.constant 1 : i32
      %swap3A_342 = arith.index_cast %swap3A_341 : i32 to index
      %swap3A_343 = arith.constant 0 : index
      %swap3A_344 = tpu.vector_load %arg7[%swap3A_342, %swap3A_343] {strides = array<i32>} : memref<8x64xf32, #tpu.memory_space<vmem>>, vector<1x16xf32>,
      %swap3A_345 = vector.shape_cast %swap3A_344 : vector<1x16xf32> to vector<16xf32>
      %swap3A_346 = vector.shape_cast %mul3A_340 : vector<16xf32> to vector<1x16xf32>
      tpu.vector_store %arg7[%swap3A_342, %swap3A_343], %swap3A_346 {strides = array<i32>} : memref<8x64xf32, #tpu.memory_space<vmem>>, vector<1x16xf32>,
      %get3A_347 = arith.constant 1 : i32
      %get3A_348 = arith.index_cast %get3A_347 : i32 to index
      %get3A_349 = arith.constant 16 : index
      %get3A_350 = tpu.vector_load %arg7[%get3A_348, %get3A_349] {strides = array<i32>} : memref<8x64xf32, #tpu.memory_space<vmem>>, vector<1x16xf32>,
      %get3A_351 = vector.shape_cast %get3A_350 : vector<1x16xf32> to vector<16xf32>
      %mul3A_352 = arith.constant 5.000000e-03 : f32
      %mul3A_353 = vector.broadcast %mul3A_352 : f32 to vector<16xf32>
      %mul3A_354 = arith.mulf %get3A_351, %mul3A_353 : vector<16xf32>
      %swap3A_355 = arith.constant 1 : i32
      %swap3A_356 = arith.index_cast %swap3A_355 : i32 to index
      %swap3A_357 = arith.constant 16 : index
      %swap3A_358 = tpu.vector_load %arg7[%swap3A_356, %swap3A_357] {strides = array<i32>} : memref<8x64xf32, #tpu.memory_space<vmem>>, vector<1x16xf32>,
      %swap3A_359 = vector.shape_cast %swap3A_358 : vector<1x16xf32> to vector<16xf32>
      %swap3A_360 = vector.shape_cast %mul3A_354 : vector<16xf32> to vector<1x16xf32>
      tpu.vector_store %arg7[%swap3A_356, %swap3A_357], %swap3A_360 {strides = array<i32>} : memref<8x64xf32, #tpu.memory_space<vmem>>, vector<1x16xf32>,
      %get3A_361 = arith.constant 1 : i32
      %get3A_362 = arith.index_cast %get3A_361 : i32 to index
      %get3A_363 = arith.constant 32 : index
      %get3A_364 = tpu.vector_load %arg7[%get3A_362, %get3A_363] {strides = array<i32>} : memref<8x64xf32, #tpu.memory_space<vmem>>, vector<1x16xf32>,
      %get3A_365 = vector.shape_cast %get3A_364 : vector<1x16xf32> to vector<16xf32>
      %mul3A_366 = arith.constant 5.000000e-03 : f32
      %mul3A_367 = vector.broadcast %mul3A_366 : f32 to vector<16xf32>
      %mul3A_368 = arith.mulf %get3A_365, %mul3A_367 : vector<16xf32>
      %swap3A_369 = arith.constant 1 : i32
      %swap3A_370 = arith.index_cast %swap3A_369 : i32 to index
      %swap3A_371 = arith.constant 32 : index
      %swap3A_372 = tpu.vector_load %arg7[%swap3A_370, %swap3A_371] {strides = array<i32>} : memref<8x64xf32, #tpu.memory_space<vmem>>, vector<1x16xf32>,
      %swap3A_373 = vector.shape_cast %swap3A_372 : vector<1x16xf32> to vector<16xf32>
      %swap3A_374 = vector.shape_cast %mul3A_368 : vector<16xf32> to vector<1x16xf32>
      tpu.vector_store %arg7[%swap3A_370, %swap3A_371], %swap3A_374 {strides = array<i32>} : memref<8x64xf32, #tpu.memory_space<vmem>>, vector<1x16xf32>,
      %get3A_375 = arith.constant 1 : i32
      %get3A_376 = arith.index_cast %get3A_375 : i32 to index
      %get3A_377 = arith.constant 48 : index
      %get3A_378 = tpu.vector_load %arg7[%get3A_376, %get3A_377] {strides = array<i32>} : memref<8x64xf32, #tpu.memory_space<vmem>>, vector<1x16xf32>,
      %get3A_379 = vector.shape_cast %get3A_378 : vector<1x16xf32> to vector<16xf32>
      %mul3A_380 = arith.constant 5.000000e-03 : f32
      %mul3A_381 = vector.broadcast %mul3A_380 : f32 to vector<16xf32>
      %mul3A_382 = arith.mulf %get3A_379, %mul3A_381 : vector<16xf32>
      %swap3A_383 = arith.constant 1 : i32
      %swap3A_384 = arith.index_cast %swap3A_383 : i32 to index
      %swap3A_385 = arith.constant 48 : index
      %swap3A_386 = tpu.vector_load %arg7[%swap3A_384, %swap3A_385] {strides = array<i32>} : memref<8x64xf32, #tpu.memory_space<vmem>>, vector<1x16xf32>,
      %swap3A_387 = vector.shape_cast %swap3A_386 : vector<1x16xf32> to vector<16xf32>
      %swap3A_388 = vector.shape_cast %mul3A_382 : vector<16xf32> to vector<1x16xf32>
      tpu.vector_store %arg7[%swap3A_384, %swap3A_385], %swap3A_388 {strides = array<i32>} : memref<8x64xf32, #tpu.memory_space<vmem>>, vector<1x16xf32>,
      %get3A_389 = arith.constant 2 : i32
      %get3A_390 = arith.index_cast %get3A_389 : i32 to index
      %get3A_391 = arith.constant 0 : index
      %get3A_392 = tpu.vector_load %arg7[%get3A_390, %get3A_391] {strides = array<i32>} : memref<8x64xf32, #tpu.memory_space<vmem>>, vector<1x16xf32>,
      %get3A_393 = vector.shape_cast %get3A_392 : vector<1x16xf32> to vector<16xf32>
      %mul3A_394 = arith.constant 5.000000e-03 : f32
      %mul3A_395 = vector.broadcast %mul3A_394 : f32 to vector<16xf32>
      %mul3A_396 = arith.mulf %get3A_393, %mul3A_395 : vector<16xf32>
      %swap3A_397 = arith.constant 2 : i32
      %swap3A_398 = arith.index_cast %swap3A_397 : i32 to index
      %swap3A_399 = arith.constant 0 : index
      %swap3A_400 = tpu.vector_load %arg7[%swap3A_398, %swap3A_399] {strides = array<i32>} : memref<8x64xf32, #tpu.memory_space<vmem>>, vector<1x16xf32>,
      %swap3A_401 = vector.shape_cast %swap3A_400 : vector<1x16xf32> to vector<16xf32>
      %swap3A_402 = vector.shape_cast %mul3A_396 : vector<16xf32> to vector<1x16xf32>
      tpu.vector_store %arg7[%swap3A_398, %swap3A_399], %swap3A_402 {strides = array<i32>} : memref<8x64xf32, #tpu.memory_space<vmem>>, vector<1x16xf32>,
      %get3A_403 = arith.constant 2 : i32
      %get3A_404 = arith.index_cast %get3A_403 : i32 to index
      %get3A_405 = arith.constant 16 : index
      %get3A_406 = tpu.vector_load %arg7[%get3A_404, %get3A_405] {strides = array<i32>} : memref<8x64xf32, #tpu.memory_space<vmem>>, vector<1x16xf32>,
      %get3A_407 = vector.shape_cast %get3A_406 : vector<1x16xf32> to vector<16xf32>
      %mul3A_408 = arith.constant 5.000000e-03 : f32
      %mul3A_409 = vector.broadcast %mul3A_408 : f32 to vector<16xf32>
      %mul3A_410 = arith.mulf %get3A_407, %mul3A_409 : vector<16xf32>
      %swap3A_411 = arith.constant 2 : i32
      %swap3A_412 = arith.index_cast %swap3A_411 : i32 to index
      %swap3A_413 = arith.constant 16 : index
      %swap3A_414 = tpu.vector_load %arg7[%swap3A_412, %swap3A_413] {strides = array<i32>} : memref<8x64xf32, #tpu.memory_space<vmem>>, vector<1x16xf32>,
      %swap3A_415 = vector.shape_cast %swap3A_414 : vector<1x16xf32> to vector<16xf32>
      %swap3A_416 = vector.shape_cast %mul3A_410 : vector<16xf32> to vector<1x16xf32>
      tpu.vector_store %arg7[%swap3A_412, %swap3A_413], %swap3A_416 {strides = array<i32>} : memref<8x64xf32, #tpu.memory_space<vmem>>, vector<1x16xf32>,
      %get3A_417 = arith.constant 2 : i32
      %get3A_418 = arith.index_cast %get3A_417 : i32 to index
      %get3A_419 = arith.constant 32 : index
      %get3A_420 = tpu.vector_load %arg7[%get3A_418, %get3A_419] {strides = array<i32>} : memref<8x64xf32, #tpu.memory_space<vmem>>, vector<1x16xf32>,
      %get3A_421 = vector.shape_cast %get3A_420 : vector<1x16xf32> to vector<16xf32>
      %mul3A_422 = arith.constant 5.000000e-03 : f32
      %mul3A_423 = vector.broadcast %mul3A_422 : f32 to vector<16xf32>
      %mul3A_424 = arith.mulf %get3A_421, %mul3A_423 : vector<16xf32>
      %swap3A_425 = arith.constant 2 : i32
      %swap3A_426 = arith.index_cast %swap3A_425 : i32 to index
      %swap3A_427 = arith.constant 32 : index
      %swap3A_428 = tpu.vector_load %arg7[%swap3A_426, %swap3A_427] {strides = array<i32>} : memref<8x64xf32, #tpu.memory_space<vmem>>, vector<1x16xf32>,
      %swap3A_429 = vector.shape_cast %swap3A_428 : vector<1x16xf32> to vector<16xf32>
      %swap3A_430 = vector.shape_cast %mul3A_424 : vector<16xf32> to vector<1x16xf32>
      tpu.vector_store %arg7[%swap3A_426, %swap3A_427], %swap3A_430 {strides = array<i32>} : memref<8x64xf32, #tpu.memory_space<vmem>>, vector<1x16xf32>,
      %get3A_431 = arith.constant 2 : i32
      %get3A_432 = arith.index_cast %get3A_431 : i32 to index
      %get3A_433 = arith.constant 48 : index
      %get3A_434 = tpu.vector_load %arg7[%get3A_432, %get3A_433] {strides = array<i32>} : memref<8x64xf32, #tpu.memory_space<vmem>>, vector<1x16xf32>,
      %get3A_435 = vector.shape_cast %get3A_434 : vector<1x16xf32> to vector<16xf32>
      %mul3A_436 = arith.constant 5.000000e-03 : f32
      %mul3A_437 = vector.broadcast %mul3A_436 : f32 to vector<16xf32>
      %mul3A_438 = arith.mulf %get3A_435, %mul3A_437 : vector<16xf32>
      %swap3A_439 = arith.constant 2 : i32
      %swap3A_440 = arith.index_cast %swap3A_439 : i32 to index
      %swap3A_441 = arith.constant 48 : index
      %swap3A_442 = tpu.vector_load %arg7[%swap3A_440, %swap3A_441] {strides = array<i32>} : memref<8x64xf32, #tpu.memory_space<vmem>>, vector<1x16xf32>,
      %swap3A_443 = vector.shape_cast %swap3A_442 : vector<1x16xf32> to vector<16xf32>
      %swap3A_444 = vector.shape_cast %mul3A_438 : vector<16xf32> to vector<1x16xf32>
      tpu.vector_store %arg7[%swap3A_440, %swap3A_441], %swap3A_444 {strides = array<i32>} : memref<8x64xf32, #tpu.memory_space<vmem>>, vector<1x16xf32>,
      %get3A_445 = arith.constant 3 : i32
      %get3A_446 = arith.index_cast %get3A_445 : i32 to index
      %get3A_447 = arith.constant 0 : index
      %get3A_448 = tpu.vector_load %arg7[%get3A_446, %get3A_447] {strides = array<i32>} : memref<8x64xf32, #tpu.memory_space<vmem>>, vector<1x16xf32>,
      %get3A_449 = vector.shape_cast %get3A_448 : vector<1x16xf32> to vector<16xf32>
      %mul3A_450 = arith.constant 5.000000e-03 : f32
      %mul3A_451 = vector.broadcast %mul3A_450 : f32 to vector<16xf32>
      %mul3A_452 = arith.mulf %get3A_449, %mul3A_451 : vector<16xf32>
      %swap3A_453 = arith.constant 3 : i32
      %swap3A_454 = arith.index_cast %swap3A_453 : i32 to index
      %swap3A_455 = arith.constant 0 : index
      %swap3A_456 = tpu.vector_load %arg7[%swap3A_454, %swap3A_455] {strides = array<i32>} : memref<8x64xf32, #tpu.memory_space<vmem>>, vector<1x16xf32>,
      %swap3A_457 = vector.shape_cast %swap3A_456 : vector<1x16xf32> to vector<16xf32>
      %swap3A_458 = vector.shape_cast %mul3A_452 : vector<16xf32> to vector<1x16xf32>
      tpu.vector_store %arg7[%swap3A_454, %swap3A_455], %swap3A_458 {strides = array<i32>} : memref<8x64xf32, #tpu.memory_space<vmem>>, vector<1x16xf32>,
      %get3A_459 = arith.constant 3 : i32
      %get3A_460 = arith.index_cast %get3A_459 : i32 to index
      %get3A_461 = arith.constant 16 : index
      %get3A_462 = tpu.vector_load %arg7[%get3A_460, %get3A_461] {strides = array<i32>} : memref<8x64xf32, #tpu.memory_space<vmem>>, vector<1x16xf32>,
      %get3A_463 = vector.shape_cast %get3A_462 : vector<1x16xf32> to vector<16xf32>
      %mul3A_464 = arith.constant 5.000000e-03 : f32
      %mul3A_465 = vector.broadcast %mul3A_464 : f32 to vector<16xf32>
      %mul3A_466 = arith.mulf %get3A_463, %mul3A_465 : vector<16xf32>
      %swap3A_467 = arith.constant 3 : i32
      %swap3A_468 = arith.index_cast %swap3A_467 : i32 to index
      %swap3A_469 = arith.constant 16 : index
      %swap3A_470 = tpu.vector_load %arg7[%swap3A_468, %swap3A_469] {strides = array<i32>} : memref<8x64xf32, #tpu.memory_space<vmem>>, vector<1x16xf32>,
      %swap3A_471 = vector.shape_cast %swap3A_470 : vector<1x16xf32> to vector<16xf32>
      %swap3A_472 = vector.shape_cast %mul3A_466 : vector<16xf32> to vector<1x16xf32>
      tpu.vector_store %arg7[%swap3A_468, %swap3A_469], %swap3A_472 {strides = array<i32>} : memref<8x64xf32, #tpu.memory_space<vmem>>, vector<1x16xf32>,
      %get3A_473 = arith.constant 3 : i32
      %get3A_474 = arith.index_cast %get3A_473 : i32 to index
      %get3A_475 = arith.constant 32 : index
      %get3A_476 = tpu.vector_load %arg7[%get3A_474, %get3A_475] {strides = array<i32>} : memref<8x64xf32, #tpu.memory_space<vmem>>, vector<1x16xf32>,
      %get3A_477 = vector.shape_cast %get3A_476 : vector<1x16xf32> to vector<16xf32>
      %mul3A_478 = arith.constant 5.000000e-03 : f32
      %mul3A_479 = vector.broadcast %mul3A_478 : f32 to vector<16xf32>
      %mul3A_480 = arith.mulf %get3A_477, %mul3A_479 : vector<16xf32>
      %swap3A_481 = arith.constant 3 : i32
      %swap3A_482 = arith.index_cast %swap3A_481 : i32 to index
      %swap3A_483 = arith.constant 32 : index
      %swap3A_484 = tpu.vector_load %arg7[%swap3A_482, %swap3A_483] {strides = array<i32>} : memref<8x64xf32, #tpu.memory_space<vmem>>, vector<1x16xf32>,
      %swap3A_485 = vector.shape_cast %swap3A_484 : vector<1x16xf32> to vector<16xf32>
      %swap3A_486 = vector.shape_cast %mul3A_480 : vector<16xf32> to vector<1x16xf32>
      tpu.vector_store %arg7[%swap3A_482, %swap3A_483], %swap3A_486 {strides = array<i32>} : memref<8x64xf32, #tpu.memory_space<vmem>>, vector<1x16xf32>,
      %get3A_487 = arith.constant 3 : i32
      %get3A_488 = arith.index_cast %get3A_487 : i32 to index
      %get3A_489 = arith.constant 48 : index
      %get3A_490 = tpu.vector_load %arg7[%get3A_488, %get3A_489] {strides = array<i32>} : memref<8x64xf32, #tpu.memory_space<vmem>>, vector<1x16xf32>,
      %get3A_491 = vector.shape_cast %get3A_490 : vector<1x16xf32> to vector<16xf32>
      %mul3A_492 = arith.constant 5.000000e-03 : f32
      %mul3A_493 = vector.broadcast %mul3A_492 : f32 to vector<16xf32>
      %mul3A_494 = arith.mulf %get3A_491, %mul3A_493 : vector<16xf32>
      %swap3A_495 = arith.constant 3 : i32
      %swap3A_496 = arith.index_cast %swap3A_495 : i32 to index
      %swap3A_497 = arith.constant 48 : index
      %swap3A_498 = tpu.vector_load %arg7[%swap3A_496, %swap3A_497] {strides = array<i32>} : memref<8x64xf32, #tpu.memory_space<vmem>>, vector<1x16xf32>,
      %swap3A_499 = vector.shape_cast %swap3A_498 : vector<1x16xf32> to vector<16xf32>
      %swap3A_500 = vector.shape_cast %mul3A_494 : vector<16xf32> to vector<1x16xf32>
      tpu.vector_store %arg7[%swap3A_496, %swap3A_497], %swap3A_500 {strides = array<i32>} : memref<8x64xf32, #tpu.memory_space<vmem>>, vector<1x16xf32>,
      %get3A_501 = arith.constant 4 : i32
      %get3A_502 = arith.index_cast %get3A_501 : i32 to index
      %get3A_503 = arith.constant 0 : index
      %get3A_504 = tpu.vector_load %arg7[%get3A_502, %get3A_503] {strides = array<i32>} : memref<8x64xf32, #tpu.memory_space<vmem>>, vector<1x16xf32>,
      %get3A_505 = vector.shape_cast %get3A_504 : vector<1x16xf32> to vector<16xf32>
      %mul3A_506 = arith.constant 5.000000e-03 : f32
      %mul3A_507 = vector.broadcast %mul3A_506 : f32 to vector<16xf32>
      %mul3A_508 = arith.mulf %get3A_505, %mul3A_507 : vector<16xf32>
      %swap3A_509 = arith.constant 4 : i32
      %swap3A_510 = arith.index_cast %swap3A_509 : i32 to index
      %swap3A_511 = arith.constant 0 : index
      %swap3A_512 = tpu.vector_load %arg7[%swap3A_510, %swap3A_511] {strides = array<i32>} : memref<8x64xf32, #tpu.memory_space<vmem>>, vector<1x16xf32>,
      %swap3A_513 = vector.shape_cast %swap3A_512 : vector<1x16xf32> to vector<16xf32>
      %swap3A_514 = vector.shape_cast %mul3A_508 : vector<16xf32> to vector<1x16xf32>
      tpu.vector_store %arg7[%swap3A_510, %swap3A_511], %swap3A_514 {strides = array<i32>} : memref<8x64xf32, #tpu.memory_space<vmem>>, vector<1x16xf32>,
      %get3A_515 = arith.constant 4 : i32
      %get3A_516 = arith.index_cast %get3A_515 : i32 to index
      %get3A_517 = arith.constant 16 : index
      %get3A_518 = tpu.vector_load %arg7[%get3A_516, %get3A_517] {strides = array<i32>} : memref<8x64xf32, #tpu.memory_space<vmem>>, vector<1x16xf32>,
      %get3A_519 = vector.shape_cast %get3A_518 : vector<1x16xf32> to vector<16xf32>
      %mul3A_520 = arith.constant 5.000000e-03 : f32
      %mul3A_521 = vector.broadcast %mul3A_520 : f32 to vector<16xf32>
      %mul3A_522 = arith.mulf %get3A_519, %mul3A_521 : vector<16xf32>
      %swap3A_523 = arith.constant 4 : i32
      %swap3A_524 = arith.index_cast %swap3A_523 : i32 to index
      %swap3A_525 = arith.constant 16 : index
      %swap3A_526 = tpu.vector_load %arg7[%swap3A_524, %swap3A_525] {strides = array<i32>} : memref<8x64xf32, #tpu.memory_space<vmem>>, vector<1x16xf32>,
      %swap3A_527 = vector.shape_cast %swap3A_526 : vector<1x16xf32> to vector<16xf32>
      %swap3A_528 = vector.shape_cast %mul3A_522 : vector<16xf32> to vector<1x16xf32>
      tpu.vector_store %arg7[%swap3A_524, %swap3A_525], %swap3A_528 {strides = array<i32>} : memref<8x64xf32, #tpu.memory_space<vmem>>, vector<1x16xf32>,
      %get3A_529 = arith.constant 4 : i32
      %get3A_530 = arith.index_cast %get3A_529 : i32 to index
      %get3A_531 = arith.constant 32 : index
      %get3A_532 = tpu.vector_load %arg7[%get3A_530, %get3A_531] {strides = array<i32>} : memref<8x64xf32, #tpu.memory_space<vmem>>, vector<1x16xf32>,
      %get3A_533 = vector.shape_cast %get3A_532 : vector<1x16xf32> to vector<16xf32>
      %mul3A_534 = arith.constant 5.000000e-03 : f32
      %mul3A_535 = vector.broadcast %mul3A_534 : f32 to vector<16xf32>
      %mul3A_536 = arith.mulf %get3A_533, %mul3A_535 : vector<16xf32>
      %swap3A_537 = arith.constant 4 : i32
      %swap3A_538 = arith.index_cast %swap3A_537 : i32 to index
      %swap3A_539 = arith.constant 32 : index
      %swap3A_540 = tpu.vector_load %arg7[%swap3A_538, %swap3A_539] {strides = array<i32>} : memref<8x64xf32, #tpu.memory_space<vmem>>, vector<1x16xf32>,
      %swap3A_541 = vector.shape_cast %swap3A_540 : vector<1x16xf32> to vector<16xf32>
      %swap3A_542 = vector.shape_cast %mul3A_536 : vector<16xf32> to vector<1x16xf32>
      tpu.vector_store %arg7[%swap3A_538, %swap3A_539], %swap3A_542 {strides = array<i32>} : memref<8x64xf32, #tpu.memory_space<vmem>>, vector<1x16xf32>,
      %get3A_543 = arith.constant 4 : i32
      %get3A_544 = arith.index_cast %get3A_543 : i32 to index
      %get3A_545 = arith.constant 48 : index
      %get3A_546 = tpu.vector_load %arg7[%get3A_544, %get3A_545] {strides = array<i32>} : memref<8x64xf32, #tpu.memory_space<vmem>>, vector<1x16xf32>,
      %get3A_547 = vector.shape_cast %get3A_546 : vector<1x16xf32> to vector<16xf32>
      %mul3A_548 = arith.constant 5.000000e-03 : f32
      %mul3A_549 = vector.broadcast %mul3A_548 : f32 to vector<16xf32>
      %mul3A_550 = arith.mulf %get3A_547, %mul3A_549 : vector<16xf32>
      %swap3A_551 = arith.constant 4 : i32
      %swap3A_552 = arith.index_cast %swap3A_551 : i32 to index
      %swap3A_553 = arith.constant 48 : index
      %swap3A_554 = tpu.vector_load %arg7[%swap3A_552, %swap3A_553] {strides = array<i32>} : memref<8x64xf32, #tpu.memory_space<vmem>>, vector<1x16xf32>,
      %swap3A_555 = vector.shape_cast %swap3A_554 : vector<1x16xf32> to vector<16xf32>
      %swap3A_556 = vector.shape_cast %mul3A_550 : vector<16xf32> to vector<1x16xf32>
      tpu.vector_store %arg7[%swap3A_552, %swap3A_553], %swap3A_556 {strides = array<i32>} : memref<8x64xf32, #tpu.memory_space<vmem>>, vector<1x16xf32>,
      %get3A_557 = arith.constant 5 : i32
      %get3A_558 = arith.index_cast %get3A_557 : i32 to index
      %get3A_559 = arith.constant 0 : index
      %get3A_560 = tpu.vector_load %arg7[%get3A_558, %get3A_559] {strides = array<i32>} : memref<8x64xf32, #tpu.memory_space<vmem>>, vector<1x16xf32>,
      %get3A_561 = vector.shape_cast %get3A_560 : vector<1x16xf32> to vector<16xf32>
      %mul3A_562 = arith.constant 5.000000e-03 : f32
      %mul3A_563 = vector.broadcast %mul3A_562 : f32 to vector<16xf32>
      %mul3A_564 = arith.mulf %get3A_561, %mul3A_563 : vector<16xf32>
      %swap3A_565 = arith.constant 5 : i32
      %swap3A_566 = arith.index_cast %swap3A_565 : i32 to index
      %swap3A_567 = arith.constant 0 : index
      %swap3A_568 = tpu.vector_load %arg7[%swap3A_566, %swap3A_567] {strides = array<i32>} : memref<8x64xf32, #tpu.memory_space<vmem>>, vector<1x16xf32>,
      %swap3A_569 = vector.shape_cast %swap3A_568 : vector<1x16xf32> to vector<16xf32>
      %swap3A_570 = vector.shape_cast %mul3A_564 : vector<16xf32> to vector<1x16xf32>
      tpu.vector_store %arg7[%swap3A_566, %swap3A_567], %swap3A_570 {strides = array<i32>} : memref<8x64xf32, #tpu.memory_space<vmem>>, vector<1x16xf32>,
      %get3A_571 = arith.constant 5 : i32
      %get3A_572 = arith.index_cast %get3A_571 : i32 to index
      %get3A_573 = arith.constant 16 : index
      %get3A_574 = tpu.vector_load %arg7[%get3A_572, %get3A_573] {strides = array<i32>} : memref<8x64xf32, #tpu.memory_space<vmem>>, vector<1x16xf32>,
      %get3A_575 = vector.shape_cast %get3A_574 : vector<1x16xf32> to vector<16xf32>
      %mul3A_576 = arith.constant 5.000000e-03 : f32
      %mul3A_577 = vector.broadcast %mul3A_576 : f32 to vector<16xf32>
      %mul3A_578 = arith.mulf %get3A_575, %mul3A_577 : vector<16xf32>
      %swap3A_579 = arith.constant 5 : i32
      %swap3A_580 = arith.index_cast %swap3A_579 : i32 to index
      %swap3A_581 = arith.constant 16 : index
      %swap3A_582 = tpu.vector_load %arg7[%swap3A_580, %swap3A_581] {strides = array<i32>} : memref<8x64xf32, #tpu.memory_space<vmem>>, vector<1x16xf32>,
      %swap3A_583 = vector.shape_cast %swap3A_582 : vector<1x16xf32> to vector<16xf32>
      %swap3A_584 = vector.shape_cast %mul3A_578 : vector<16xf32> to vector<1x16xf32>
      tpu.vector_store %arg7[%swap3A_580, %swap3A_581], %swap3A_584 {strides = array<i32>} : memref<8x64xf32, #tpu.memory_space<vmem>>, vector<1x16xf32>,
      %get3A_585 = arith.constant 5 : i32
      %get3A_586 = arith.index_cast %get3A_585 : i32 to index
      %get3A_587 = arith.constant 32 : index
      %get3A_588 = tpu.vector_load %arg7[%get3A_586, %get3A_587] {strides = array<i32>} : memref<8x64xf32, #tpu.memory_space<vmem>>, vector<1x16xf32>,
      %get3A_589 = vector.shape_cast %get3A_588 : vector<1x16xf32> to vector<16xf32>
      %mul3A_590 = arith.constant 5.000000e-03 : f32
      %mul3A_591 = vector.broadcast %mul3A_590 : f32 to vector<16xf32>
      %mul3A_592 = arith.mulf %get3A_589, %mul3A_591 : vector<16xf32>
      %swap3A_593 = arith.constant 5 : i32
      %swap3A_594 = arith.index_cast %swap3A_593 : i32 to index
      %swap3A_595 = arith.constant 32 : index
      %swap3A_596 = tpu.vector_load %arg7[%swap3A_594, %swap3A_595] {strides = array<i32>} : memref<8x64xf32, #tpu.memory_space<vmem>>, vector<1x16xf32>,
      %swap3A_597 = vector.shape_cast %swap3A_596 : vector<1x16xf32> to vector<16xf32>
      %swap3A_598 = vector.shape_cast %mul3A_592 : vector<16xf32> to vector<1x16xf32>
      tpu.vector_store %arg7[%swap3A_594, %swap3A_595], %swap3A_598 {strides = array<i32>} : memref<8x64xf32, #tpu.memory_space<vmem>>, vector<1x16xf32>,
      %get3A_599 = arith.constant 5 : i32
      %get3A_600 = arith.index_cast %get3A_599 : i32 to index
      %get3A_601 = arith.constant 48 : index
      %get3A_602 = tpu.vector_load %arg7[%get3A_600, %get3A_601] {strides = array<i32>} : memref<8x64xf32, #tpu.memory_space<vmem>>, vector<1x16xf32>,
      %get3A_603 = vector.shape_cast %get3A_602 : vector<1x16xf32> to vector<16xf32>
      %mul3A_604 = arith.constant 5.000000e-03 : f32
      %mul3A_605 = vector.broadcast %mul3A_604 : f32 to vector<16xf32>
      %mul3A_606 = arith.mulf %get3A_603, %mul3A_605 : vector<16xf32>
      %swap3A_607 = arith.constant 5 : i32
      %swap3A_608 = arith.index_cast %swap3A_607 : i32 to index
      %swap3A_609 = arith.constant 48 : index
      %swap3A_610 = tpu.vector_load %arg7[%swap3A_608, %swap3A_609] {strides = array<i32>} : memref<8x64xf32, #tpu.memory_space<vmem>>, vector<1x16xf32>,
      %swap3A_611 = vector.shape_cast %swap3A_610 : vector<1x16xf32> to vector<16xf32>
      %swap3A_612 = vector.shape_cast %mul3A_606 : vector<16xf32> to vector<1x16xf32>
      tpu.vector_store %arg7[%swap3A_608, %swap3A_609], %swap3A_612 {strides = array<i32>} : memref<8x64xf32, #tpu.memory_space<vmem>>, vector<1x16xf32>,
      %get3A_613 = arith.constant 6 : i32
      %get3A_614 = arith.index_cast %get3A_613 : i32 to index
      %get3A_615 = arith.constant 0 : index
      %get3A_616 = tpu.vector_load %arg7[%get3A_614, %get3A_615] {strides = array<i32>} : memref<8x64xf32, #tpu.memory_space<vmem>>, vector<1x16xf32>,
      %get3A_617 = vector.shape_cast %get3A_616 : vector<1x16xf32> to vector<16xf32>
      %mul3A_618 = arith.constant 5.000000e-03 : f32
      %mul3A_619 = vector.broadcast %mul3A_618 : f32 to vector<16xf32>
      %mul3A_620 = arith.mulf %get3A_617, %mul3A_619 : vector<16xf32>
      %swap3A_621 = arith.constant 6 : i32
      %swap3A_622 = arith.index_cast %swap3A_621 : i32 to index
      %swap3A_623 = arith.constant 0 : index
      %swap3A_624 = tpu.vector_load %arg7[%swap3A_622, %swap3A_623] {strides = array<i32>} : memref<8x64xf32, #tpu.memory_space<vmem>>, vector<1x16xf32>,
      %swap3A_625 = vector.shape_cast %swap3A_624 : vector<1x16xf32> to vector<16xf32>
      %swap3A_626 = vector.shape_cast %mul3A_620 : vector<16xf32> to vector<1x16xf32>
      tpu.vector_store %arg7[%swap3A_622, %swap3A_623], %swap3A_626 {strides = array<i32>} : memref<8x64xf32, #tpu.memory_space<vmem>>, vector<1x16xf32>,
      %get3A_627 = arith.constant 6 : i32
      %get3A_628 = arith.index_cast %get3A_627 : i32 to index
      %get3A_629 = arith.constant 16 : index
      %get3A_630 = tpu.vector_load %arg7[%get3A_628, %get3A_629] {strides = array<i32>} : memref<8x64xf32, #tpu.memory_space<vmem>>, vector<1x16xf32>,
      %get3A_631 = vector.shape_cast %get3A_630 : vector<1x16xf32> to vector<16xf32>
      %mul3A_632 = arith.constant 5.000000e-03 : f32
      %mul3A_633 = vector.broadcast %mul3A_632 : f32 to vector<16xf32>
      %mul3A_634 = arith.mulf %get3A_631, %mul3A_633 : vector<16xf32>
      %swap3A_635 = arith.constant 6 : i32
      %swap3A_636 = arith.index_cast %swap3A_635 : i32 to index
      %swap3A_637 = arith.constant 16 : index
      %swap3A_638 = tpu.vector_load %arg7[%swap3A_636, %swap3A_637] {strides = array<i32>} : memref<8x64xf32, #tpu.memory_space<vmem>>, vector<1x16xf32>,
      %swap3A_639 = vector.shape_cast %swap3A_638 : vector<1x16xf32> to vector<16xf32>
      %swap3A_640 = vector.shape_cast %mul3A_634 : vector<16xf32> to vector<1x16xf32>
      tpu.vector_store %arg7[%swap3A_636, %swap3A_637], %swap3A_640 {strides = array<i32>} : memref<8x64xf32, #tpu.memory_space<vmem>>, vector<1x16xf32>,
      %get3A_641 = arith.constant 6 : i32
      %get3A_642 = arith.index_cast %get3A_641 : i32 to index
      %get3A_643 = arith.constant 32 : index
      %get3A_644 = tpu.vector_load %arg7[%get3A_642, %get3A_643] {strides = array<i32>} : memref<8x64xf32, #tpu.memory_space<vmem>>, vector<1x16xf32>,
      %get3A_645 = vector.shape_cast %get3A_644 : vector<1x16xf32> to vector<16xf32>
      %mul3A_646 = arith.constant 5.000000e-03 : f32
      %mul3A_647 = vector.broadcast %mul3A_646 : f32 to vector<16xf32>
      %mul3A_648 = arith.mulf %get3A_645, %mul3A_647 : vector<16xf32>
      %swap3A_649 = arith.constant 6 : i32
      %swap3A_650 = arith.index_cast %swap3A_649 : i32 to index
      %swap3A_651 = arith.constant 32 : index
      %swap3A_652 = tpu.vector_load %arg7[%swap3A_650, %swap3A_651] {strides = array<i32>} : memref<8x64xf32, #tpu.memory_space<vmem>>, vector<1x16xf32>,
      %swap3A_653 = vector.shape_cast %swap3A_652 : vector<1x16xf32> to vector<16xf32>
      %swap3A_654 = vector.shape_cast %mul3A_648 : vector<16xf32> to vector<1x16xf32>
      tpu.vector_store %arg7[%swap3A_650, %swap3A_651], %swap3A_654 {strides = array<i32>} : memref<8x64xf32, #tpu.memory_space<vmem>>, vector<1x16xf32>,
      %get3A_655 = arith.constant 6 : i32
      %get3A_656 = arith.index_cast %get3A_655 : i32 to index
      %get3A_657 = arith.constant 48 : index
      %get3A_658 = tpu.vector_load %arg7[%get3A_656, %get3A_657] {strides = array<i32>} : memref<8x64xf32, #tpu.memory_space<vmem>>, vector<1x16xf32>,
      %get3A_659 = vector.shape_cast %get3A_658 : vector<1x16xf32> to vector<16xf32>
      %mul3A_660 = arith.constant 5.000000e-03 : f32
      %mul3A_661 = vector.broadcast %mul3A_660 : f32 to vector<16xf32>
      %mul3A_662 = arith.mulf %get3A_659, %mul3A_661 : vector<16xf32>
      %swap3A_663 = arith.constant 6 : i32
      %swap3A_664 = arith.index_cast %swap3A_663 : i32 to index
      %swap3A_665 = arith.constant 48 : index
      %swap3A_666 = tpu.vector_load %arg7[%swap3A_664, %swap3A_665] {strides = array<i32>} : memref<8x64xf32, #tpu.memory_space<vmem>>, vector<1x16xf32>,
      %swap3A_667 = vector.shape_cast %swap3A_666 : vector<1x16xf32> to vector<16xf32>
      %swap3A_668 = vector.shape_cast %mul3A_662 : vector<16xf32> to vector<1x16xf32>
      tpu.vector_store %arg7[%swap3A_664, %swap3A_665], %swap3A_668 {strides = array<i32>} : memref<8x64xf32, #tpu.memory_space<vmem>>, vector<1x16xf32>,
      %get3A_669 = arith.constant 7 : i32
      %get3A_670 = arith.index_cast %get3A_669 : i32 to index
      %get3A_671 = arith.constant 0 : index
      %get3A_672 = tpu.vector_load %arg7[%get3A_670, %get3A_671] {strides = array<i32>} : memref<8x64xf32, #tpu.memory_space<vmem>>, vector<1x16xf32>,
      %get3A_673 = vector.shape_cast %get3A_672 : vector<1x16xf32> to vector<16xf32>
      %mul3A_674 = arith.constant 5.000000e-03 : f32
      %mul3A_675 = vector.broadcast %mul3A_674 : f32 to vector<16xf32>
      %mul3A_676 = arith.mulf %get3A_673, %mul3A_675 : vector<16xf32>
      %swap3A_677 = arith.constant 7 : i32
      %swap3A_678 = arith.index_cast %swap3A_677 : i32 to index
      %swap3A_679 = arith.constant 0 : index
      %swap3A_680 = tpu.vector_load %arg7[%swap3A_678, %swap3A_679] {strides = array<i32>} : memref<8x64xf32, #tpu.memory_space<vmem>>, vector<1x16xf32>,
      %swap3A_681 = vector.shape_cast %swap3A_680 : vector<1x16xf32> to vector<16xf32>
      %swap3A_682 = vector.shape_cast %mul3A_676 : vector<16xf32> to vector<1x16xf32>
      tpu.vector_store %arg7[%swap3A_678, %swap3A_679], %swap3A_682 {strides = array<i32>} : memref<8x64xf32, #tpu.memory_space<vmem>>, vector<1x16xf32>,
      %get3A_683 = arith.constant 7 : i32
      %get3A_684 = arith.index_cast %get3A_683 : i32 to index
      %get3A_685 = arith.constant 16 : index
      %get3A_686 = tpu.vector_load %arg7[%get3A_684, %get3A_685] {strides = array<i32>} : memref<8x64xf32, #tpu.memory_space<vmem>>, vector<1x16xf32>,
      %get3A_687 = vector.shape_cast %get3A_686 : vector<1x16xf32> to vector<16xf32>
      %mul3A_688 = arith.constant 5.000000e-03 : f32
      %mul3A_689 = vector.broadcast %mul3A_688 : f32 to vector<16xf32>
      %mul3A_690 = arith.mulf %get3A_687, %mul3A_689 : vector<16xf32>
      %swap3A_691 = arith.constant 7 : i32
      %swap3A_692 = arith.index_cast %swap3A_691 : i32 to index
      %swap3A_693 = arith.constant 16 : index
      %swap3A_694 = tpu.vector_load %arg7[%swap3A_692, %swap3A_693] {strides = array<i32>} : memref<8x64xf32, #tpu.memory_space<vmem>>, vector<1x16xf32>,
      %swap3A_695 = vector.shape_cast %swap3A_694 : vector<1x16xf32> to vector<16xf32>
      %swap3A_696 = vector.shape_cast %mul3A_690 : vector<16xf32> to vector<1x16xf32>
      tpu.vector_store %arg7[%swap3A_692, %swap3A_693], %swap3A_696 {strides = array<i32>} : memref<8x64xf32, #tpu.memory_space<vmem>>, vector<1x16xf32>,
      %get3A_697 = arith.constant 7 : i32
      %get3A_698 = arith.index_cast %get3A_697 : i32 to index
      %get3A_699 = arith.constant 32 : index
      %get3A_700 = tpu.vector_load %arg7[%get3A_698, %get3A_699] {strides = array<i32>} : memref<8x64xf32, #tpu.memory_space<vmem>>, vector<1x16xf32>,
      %get3A_701 = vector.shape_cast %get3A_700 : vector<1x16xf32> to vector<16xf32>
      %mul3A_702 = arith.constant 5.000000e-03 : f32
      %mul3A_703 = vector.broadcast %mul3A_702 : f32 to vector<16xf32>
      %mul3A_704 = arith.mulf %get3A_701, %mul3A_703 : vector<16xf32>
      %swap3A_705 = arith.constant 7 : i32
      %swap3A_706 = arith.index_cast %swap3A_705 : i32 to index
      %swap3A_707 = arith.constant 32 : index
      %swap3A_708 = tpu.vector_load %arg7[%swap3A_706, %swap3A_707] {strides = array<i32>} : memref<8x64xf32, #tpu.memory_space<vmem>>, vector<1x16xf32>,
      %swap3A_709 = vector.shape_cast %swap3A_708 : vector<1x16xf32> to vector<16xf32>
      %swap3A_710 = vector.shape_cast %mul3A_704 : vector<16xf32> to vector<1x16xf32>
      tpu.vector_store %arg7[%swap3A_706, %swap3A_707], %swap3A_710 {strides = array<i32>} : memref<8x64xf32, #tpu.memory_space<vmem>>, vector<1x16xf32>,
      %get3A_711 = arith.constant 7 : i32
      %get3A_712 = arith.index_cast %get3A_711 : i32 to index
      %get3A_713 = arith.constant 48 : index
      %get3A_714 = tpu.vector_load %arg7[%get3A_712, %get3A_713] {strides = array<i32>} : memref<8x64xf32, #tpu.memory_space<vmem>>, vector<1x16xf32>,
      %get3A_715 = vector.shape_cast %get3A_714 : vector<1x16xf32> to vector<16xf32>
      %mul3A_716 = arith.constant 5.000000e-03 : f32
      %mul3A_717 = vector.broadcast %mul3A_716 : f32 to vector<16xf32>
      %mul3A_718 = arith.mulf %get3A_715, %mul3A_717 : vector<16xf32>
      %swap3A_719 = arith.constant 7 : i32
      %swap3A_720 = arith.index_cast %swap3A_719 : i32 to index
      %swap3A_721 = arith.constant 48 : index
      %swap3A_722 = tpu.vector_load %arg7[%swap3A_720, %swap3A_721] {strides = array<i32>} : memref<8x64xf32, #tpu.memory_space<vmem>>, vector<1x16xf32>,
      %swap3A_723 = vector.shape_cast %swap3A_722 : vector<1x16xf32> to vector<16xf32>
      %swap3A_724 = vector.shape_cast %mul3A_718 : vector<16xf32> to vector<1x16xf32>
      tpu.vector_store %arg7[%swap3A_720, %swap3A_721], %swap3A_724 {strides = array<i32>} : memref<8x64xf32, #tpu.memory_space<vmem>>, vector<1x16xf32>,
      %mul3A_725 = arith.constant 128 : i32
      %mul3A_726 = arith.muli %add3A, %mul3A_725 : i32
      %mul3A_727 = arith.constant 8 : i32
      %mul3A_728 = arith.muli %scan3A_6, %mul3A_727 : i32
      %add3A_729 = arith.addi %mul3A_726, %mul3A_728 : i32
      "tpu.region"() ({
        %run_scoped3A = tpu.sem_alloc : memref<!tpu.dma_semaphore, #tpu.memory_space<semaphore_mem>>
        %dma_start3A_730 = arith.constant 0 : i32
        %dma_start3A_731 = tpu.memref_slice %arg4[%add3A_729, %dma_start3A_730] : memref<4096x64xf32, #tpu.memory_space<hbm>> -> memref<8x64xf32, #tpu.memory_space<hbm>>
        %dma_start3A_732 = arith.constant 0 : i32
        %dma_start3A_733 = tpu.memref_slice %arg4[%add3A_729, %dma_start3A_732] : memref<4096x64xf32, #tpu.memory_space<hbm>> -> memref<8x64xf32, #tpu.memory_space<hbm>>
        tpu.enqueue_dma source(%arg7 : memref<8x64xf32, #tpu.memory_space<vmem>>) target(%dma_start3A_733 : memref<8x64xf32, #tpu.memory_space<hbm>>) target_semaphore(%run_scoped3A : memref<!tpu.dma_semaphore, #tpu.memory_space<semaphore_mem>>)
        %dma_wait3A_734 = arith.constant 0 : i32
        %dma_wait3A_735 = tpu.memref_slice %arg4[%add3A_729, %dma_wait3A_734] : memref<4096x64xf32, #tpu.memory_space<hbm>> -> memref<8x64xf32, #tpu.memory_space<hbm>>
        %dma_wait3A_736 = arith.constant 0 : i32
        %dma_wait3A_737 = tpu.memref_slice %arg4[%add3A_729, %dma_wait3A_736] : memref<4096x64xf32, #tpu.memory_space<hbm>> -> memref<8x64xf32, #tpu.memory_space<hbm>>
        tpu.wait_dma2 semaphore(%run_scoped3A : memref<!tpu.dma_semaphore, #tpu.memory_space<semaphore_mem>>) src(%arg7 : memref<8x64xf32, #tpu.memory_space<vmem>>) dst(%dma_wait3A_737 : memref<8x64xf32, #tpu.memory_space<hbm>>)
        tpu.yield
      }) : () -> ()
    }
    %scan3A_5 = arith.constant 16 : i32
    return
  }
}

module attributes {stable_mosaic.version = 14 : i64} {
  func.func @_mlp_block(%arg0: i32, %arg1: memref<2048x128xf32, #tpu.memory_space<vmem>>, %arg2: memref<256x128xf32, #tpu.memory_space<vmem>>, %arg3: memref<1x256xf32, #tpu.memory_space<vmem>>, %arg4: memref<128x256xf32, #tpu.memory_space<vmem>>, %arg5: memref<1x128xf32, #tpu.memory_space<vmem>>, %arg6: memref<2048x128xf32, #tpu.memory_space<vmem>>) attributes {dimension_semantics = [#tpu.dimension_semantics<arbitrary>], iteration_bounds = array<i64: 2>, scalar_prefetch = 0 : i64, scratch_operands = 0 : i64, tpu.core_type = #tpu.core_type<tc>, window_params = [{transform_indices = @transform_0, window_bounds = array<i64: 2048, 128>}, {pipeline_mode = #tpu.pipeline_mode<synchronous>, transform_indices = @transform_1, window_bounds = array<i64: 256, 128>}, {pipeline_mode = #tpu.pipeline_mode<synchronous>, transform_indices = @transform_2, window_bounds = array<i64: 1, 256>}, {pipeline_mode = #tpu.pipeline_mode<synchronous>, transform_indices = @transform_3, window_bounds = array<i64: 128, 256>}, {pipeline_mode = #tpu.pipeline_mode<synchronous>, transform_indices = @transform_4, window_bounds = array<i64: 1, 128>}, {transform_indices = @transform_5, window_bounds = array<i64: 2048, 128>}]} {
    %get3A = arith.constant 0 : index
    %get3A_0 = arith.constant 0 : index
    %get3A_1 = vector.load %arg1[%get3A, %get3A_0] : memref<2048x128xf32, #tpu.memory_space<vmem>>, vector<2048x128xf32>
    %convert_element_type3A = arith.truncf %get3A_1 : vector<2048x128xf32> to vector<2048x128xbf16>
    %get3A_2 = arith.constant 0 : index
    %get3A_3 = arith.constant 0 : index
    %get3A_4 = vector.load %arg2[%get3A_2, %get3A_3] : memref<256x128xf32, #tpu.memory_space<vmem>>, vector<256x128xf32>
    %convert_element_type3A_5 = arith.truncf %get3A_4 : vector<256x128xf32> to vector<256x128xbf16>
    %dot_general3A = arith.constant dense<0.000000e+00> : vector<2048x256xf32>
    %dot_general3A_6 = tpu.matmul %convert_element_type3A, %convert_element_type3A_5, %dot_general3A {dimension_numbers = #tpu.dot_dimension_numbers<[1], [1], [0], [0], [0, 0, 1, 0], [], []>, transpose_lhs_hint = false} : vector<2048x128xbf16>, vector<256x128xbf16>, vector<2048x256xf32> -> vector<2048x256xf32>
    %get3A_7 = arith.constant 0 : index
    %get3A_8 = arith.constant 0 : index
    %get3A_9 = vector.load %arg3[%get3A_7, %get3A_8] : memref<1x256xf32, #tpu.memory_space<vmem>>, vector<1x256xf32>
    %add3A = vector.broadcast %get3A_9 : vector<1x256xf32> to vector<2048x256xf32>
    %add3A_10 = arith.addf %dot_general3A_6, %add3A : vector<2048x256xf32>
    %max3A = arith.constant 0.000000e+00 : f32
    %max3A_11 = vector.broadcast %max3A : f32 to vector<2048x256xf32>
    %max3A_12 = arith.maximumf %add3A_10, %max3A_11 : vector<2048x256xf32>
    %convert_element_type3A_13 = arith.truncf %max3A_12 : vector<2048x256xf32> to vector<2048x256xbf16>
    %get3A_14 = arith.constant 0 : index
    %get3A_15 = arith.constant 0 : index
    %get3A_16 = vector.load %arg4[%get3A_14, %get3A_15] : memref<128x256xf32, #tpu.memory_space<vmem>>, vector<128x256xf32>
    %convert_element_type3A_17 = arith.truncf %get3A_16 : vector<128x256xf32> to vector<128x256xbf16>
    %dot_general3A_18 = arith.constant dense<0.000000e+00> : vector<2048x128xf32>
    %dot_general3A_19 = tpu.matmul %convert_element_type3A_13, %convert_element_type3A_17, %dot_general3A_18 {dimension_numbers = #tpu.dot_dimension_numbers<[1], [1], [0], [0], [0, 0, 1, 0], [], []>, transpose_lhs_hint = false} : vector<2048x256xbf16>, vector<128x256xbf16>, vector<2048x128xf32> -> vector<2048x128xf32>
    %get3A_20 = arith.constant 0 : index
    %get3A_21 = arith.constant 0 : index
    %get3A_22 = vector.load %arg5[%get3A_20, %get3A_21] : memref<1x128xf32, #tpu.memory_space<vmem>>, vector<1x128xf32>
    %add3A_23 = vector.broadcast %get3A_22 : vector<1x128xf32> to vector<2048x128xf32>
    %add3A_24 = arith.addf %dot_general3A_19, %add3A_23 : vector<2048x128xf32>
    %swap3A = arith.constant 0 : index
    %swap3A_25 = arith.constant 0 : index
    %swap3A_26 = vector.load %arg6[%swap3A, %swap3A_25] : memref<2048x128xf32, #tpu.memory_space<vmem>>, vector<2048x128xf32>
    tpu.vector_store %arg6[%swap3A, %swap3A_25], %add3A_24 {strides = array<i32>} : memref<2048x128xf32, #tpu.memory_space<vmem>>, vector<2048x128xf32>,
    return
  }
  func.func @transform_0(%arg0: i32) -> (i32, i32) {
    %c0_i32 = arith.constant 0 : i32
    %c0_i32_0 = arith.constant 0 : i32
    return %arg0, %c0_i32 : i32, i32
  }
  func.func @transform_1(%arg0: i32) -> (i32, i32) {
    %c0_i32 = arith.constant 0 : i32
    %c0_i32_0 = arith.constant 0 : i32
    %c0_i32_1 = arith.constant 0 : i32
    return %c0_i32, %c0_i32_0 : i32, i32
  }
  func.func @transform_2(%arg0: i32) -> (i32, i32) {
    %c0_i32 = arith.constant 0 : i32
    %c0_i32_0 = arith.constant 0 : i32
    %c0_i32_1 = arith.constant 0 : i32
    return %c0_i32, %c0_i32_0 : i32, i32
  }
  func.func @transform_3(%arg0: i32) -> (i32, i32) {
    %c0_i32 = arith.constant 0 : i32
    %c0_i32_0 = arith.constant 0 : i32
    %c0_i32_1 = arith.constant 0 : i32
    return %c0_i32, %c0_i32_0 : i32, i32
  }
  func.func @transform_4(%arg0: i32) -> (i32, i32) {
    %c0_i32 = arith.constant 0 : i32
    %c0_i32_0 = arith.constant 0 : i32
    %c0_i32_1 = arith.constant 0 : i32
    return %c0_i32, %c0_i32_0 : i32, i32
  }
  func.func @transform_5(%arg0: i32) -> (i32, i32) {
    %c0_i32 = arith.constant 0 : i32
    %c0_i32_0 = arith.constant 0 : i32
    return %arg0, %c0_i32 : i32, i32
  }
}

</mosaic_0001>

<sc_bundles>
// kernel: kernel.4.cloned.1.call-start
scs
__scs_entry_jumppad:
0x0: {  	(pc) =	sbr.rel $0x88, $3  }
0x1: {  	(tag) =	ssettag $0x0;
	lr =	simm.s32 $0x1  }
0x2: {  	[smem:$0x3F9A] =	sst lr;
	_ =	strace $0xD0000000  }
0x3: {  	_ = 	snop  }
0x4: {  	_ = 	snop  }
0x5: {  	_ = 	snop  }
0x6: {  	_ = 	snop  }
0x7: {  	_ = 	snop  }
__scs_overlays_trampoline_lowered:
0x8: {  	[smem:$0x3FA9] =	sst s0  }
0x9: {  	[smem:$0x3FAA] =	sst s1  }
0xa: {  	[smem:$0x3FAB] =	sst s2  }
0xb: {  	[smem:$0x3FAC] =	sst s3  }
0xc: {  	[smem:$0x3FAD] =	sst s4  }
0xd: {  	[smem:$0x3FAE] =	sst s5  }
0xe: {  	[smem:$0x3FAF] =	sst s6  }
0xf: {  	[smem:$0x3FB0] =	sst s7  }
0x10: {  	[smem:$0x3FB1] =	sst s8  }
0x11: {  	[smem:$0x3FB2] =	sst s9;
	s0 =	simm.s32 @!p0 $0x0  }
0x12: {  	s1 =	sld [smem:$0x3F98];
	s0 =	simm.s32 @p0 $0x1  }
0x13: {  	[smem:$0x3FB3] =	sst s0;
	s0 =	simm.s32 @!p1 $0x0  }
0x14: {  	s2 =	sld [smem:$0x3F97];
	s0 =	simm.s32 @p1 $0x1  }
0x15: {  	[smem:$0x3FB4] =	sst s0;
	s0 =	simm.s32 @!p2 $0x0  }
0x16: {  	s3 =	sld [smem:$0x3FDB];
	s0 =	simm.s32 @p2 $0x1  }
0x17: {  	s4 =	simm.s32 $0x1BF5;
	[smem:$0x3FB6] =	sst s0  }
0x18: {  	s0 =	sld [smem:$0x3F99];
	_ =	swait.ge [sflag:s4], $0x0  }
0x19: {  	s7 =	sld [smem:$0x3F9A]  }
0x1a: {  	s8 =	sadd.s32 $0xFFFFE003, lr  }
0x1b: {  	s9 =	sadd.s32 $0xFFFFFEF7, lr;
	s5 =	simm.s32 $0xFFFFFFFF;
	p2 =	slt.u32 s8, $0xFFFFF086  }
0x1c: {  	p1 =	slt.u32 s9, $0xF7A;
	s5 =	simm.s32 @!p2 $0x0  }
0x1d: {  	s5 =	simm.s32 @p1 $0x1;
	p0 =	seq.s32 s7, s2  }
0x1e: {  	s7 =	smul.u32 @!p0 $0xF7A, s2;
	p2 =	seq.s32 @!p0 s5, $0x0  }
0x1f: {  	s9 =	smul.u32 $0xF7A, s1;
	s8 =	simm.s32 @!p0 $0x1BF5;
	p2 =	por !p2, p0  }
0x20: {  	[sflag:s8] =	ssyncset.s32 @!p0 $0xFFFFF086;
	s6 =	sadd.s32 @!p0 s3, s7;
	s7 =	simm.s32 @!p0 $0x108  }
0x21: {  	s3 =	sadd.s32 s3, s9;
	s6 =	sadd.s32 @!p0 $0x88, s6;
	s7 =	simm.s32 @p2 $0x1082  }
0x22: {  	[simem:s7], [sflag:s8] =	dma.local @!p0 [hbm:s6], $0xF7A  }
0x23: {  	s9 =	sor.u32 $0xD0000000, s2;
	s6 =	simm.s32 $0x108;
	_ =	swait.ge @!p0 [sflag:s8], $0x0  }
0x24: {  	s3 =	sadd.s32 $0x88, s3;
	s6 =	simm.s32 @!p1 $0x1082;
	[sflag:s4] =	ssyncset.s32 $0xFFFFF086  }
0x25: {  	[simem:s6], [sflag:s4] =	dma.local [hbm:s3], $0xF7A  }
0x26: {  	[smem:$0x3F9A] =	sst s1;
	(tag) =	ssettag s2;
	_ =	strace s9  }
0x27: {  	s1 =	sld [smem:$0x3FAA]  }
0x28: {  	s2 =	sld [smem:$0x3FAB]  }
0x29: {  	s4 =	sld [smem:$0x3FAD]  }
0x2a: {  	p0 =	seq.s32 s5, $0x0;
	s5 =	sld [smem:$0x3FAE]  }
0x2b: {  	s6 =	sld [smem:$0x3FAF]  }
0x2c: {  	s7 =	sld [smem:$0x3FB0]  }
0x2d: {  	s3 =	simm.s32 $0x108;
	s8 =	sld [smem:$0x3FB1]  }
0x2e: {  	s3 =	simm.s32 @!p0 $0x1082;
	s9 =	sld [smem:$0x3FB2]  }
0x2f: {  	lr =	sadd.s32 s0, s3;
	s0 =	sld [smem:$0x3FA9]  }
0x30: {  	s3 =	sld [smem:$0x3FAC]  }
0x31: {  	[smem:$0x3FB5] =	sst s10  }
0x32: {  	s10 =	sld [smem:$0x3FB3];
	_ =	sdelay $0x3  }
0x33: {  	p0 =	seq.s32 s10, $0x1;
	s10 =	sld [smem:$0x3FB5];
	_ =	sdelay $0x3  }
0x34: {  	[smem:$0x3FB5] =	sst s10  }
0x35: {  	s10 =	sld [smem:$0x3FB4];
	_ =	sdelay $0x3  }
0x36: {  	p1 =	seq.s32 s10, $0x1;
	s10 =	sld [smem:$0x3FB5];
	_ =	sdelay $0x3  }
0x37: {  	[smem:$0x3FB5] =	sst s10  }
0x38: {  	s10 =	sld [smem:$0x3FB6]  }
0x39: {  	_ = 	snop;
	(pc) =	sbr.ind lr, $3  }
0x3a: {  	_ = 	snop  }
0x3b: {  	_ = 	snop  }
0x3c: {  	p2 =	seq.s32 s10, $0x1;
	s10 =	sld [smem:$0x3FB5]  }
0x3d: {  	_ =	shalt  }
0x3e: {  	_ =	shalt  }
0x3f: {  	_ =	shalt  }
0x40: {  	_ =	shalt  }
0x41: {  	_ =	shalt  }
0x42: {  	_ =	shalt  }
0x43: {  	_ =	shalt  }
0x44: {  	_ =	shalt  }
0x45: {  	_ =	shalt  }
0x46: {  	_ =	shalt  }
0x47: {  	_ =	shalt  }
0x48: {  	_ =	shalt  }
0x49: {  	_ =	shalt  }
0x4a: {  	_ =	shalt  }
0x4b: {  	_ =	shalt  }
0x4c: {  	_ =	shalt  }
0x4d: {  	_ =	shalt  }
0x4e: {  	_ =	shalt  }
0x4f: {  	_ =	shalt  }
0x50: {  	_ =	shalt  }
0x51: {  	_ =	shalt  }
0x52: {  	_ =	shalt  }
0x53: {  	_ =	shalt  }
0x54: {  	_ =	shalt  }
0x55: {  	_ =	shalt  }
0x56: {  	_ =	shalt  }
0x57: {  	_ =	shalt  }
0x58: {  	_ =	shalt  }
0x59: {  	_ =	shalt  }
0x5a: {  	_ =	shalt  }
0x5b: {  	_ =	shalt  }
0x5c: {  	_ =	shalt  }
0x5d: {  	_ =	shalt  }
0x5e: {  	_ =	shalt  }
0x5f: {  	_ =	shalt  }
0x60: {  	_ =	shalt  }
0x61: {  	_ =	shalt  }
0x62: {  	_ =	shalt  }
0x63: {  	_ =	shalt  }
0x64: {  	_ =	shalt  }
0x65: {  	_ =	shalt  }
0x66: {  	_ =	shalt  }
0x67: {  	_ =	shalt  }
0x68: {  	_ =	shalt  }
0x69: {  	_ =	shalt  }
0x6a: {  	_ =	shalt  }
0x6b: {  	_ =	shalt  }
0x6c: {  	_ =	shalt  }
0x6d: {  	_ =	shalt  }
0x6e: {  	_ =	shalt  }
0x6f: {  	_ =	shalt  }
0x70: {  	_ =	shalt  }
0x71: {  	_ =	shalt  }
0x72: {  	_ =	shalt  }
0x73: {  	_ =	shalt  }
0x74: {  	_ =	shalt  }
0x75: {  	_ =	shalt  }
0x76: {  	_ =	shalt  }
0x77: {  	_ =	shalt  }
0x78: {  	_ =	shalt  }
0x79: {  	_ =	shalt  }
0x7a: {  	_ =	shalt  }
0x7b: {  	_ =	shalt  }
0x7c: {  	_ =	shalt  }
0x7d: {  	_ =	shalt  }
0x7e: {  	_ =	shalt  }
0x7f: {  	_ =	shalt  }
0x80: {  	_ =	shalt  }
0x81: {  	_ =	shalt  }
0x82: {  	_ =	shalt  }
0x83: {  	_ =	shalt  }
0x84: {  	_ =	shalt  }
0x85: {  	_ =	shalt  }
0x86: {  	_ =	shalt  }
0x87: {  	_ =	shalt  }
.Lfunc_end0:
.L_simem_size_0:
called_computation_lowered:
.L_overlay_start_0:
0x88: {  	s2 =	sld [smem:$0x3FD9]  }
0x89: {  	s3 =	sld [smem:$0x3FFE];
	_ =	sdelay $0x1  }
0x8a: {  	s1 =	srdreg.scid  }
0x8b: {  	s0 =	sand.u32 $0x1, s1  }
0x8c: {  	s17 =	sshll.u32 s0, $0xA;
	s2 =	sadd.s32 s3, s2  }
0x8d: {  	s2 =	sadd.s32 s2, s17  }
0x8e: {  	[smem:$0x3FC1] =	sst s2  }
0x8f: {  	_ = 	snop  }
0x90: {  	s2 =	sld [smem:$0x3FD0];
	(tm) =	ssettm $0x1  }
0x91: {  	s18 =	sld [smem:$0x3FFB];
	_ =	sdelay $0x3  }
0x92: {  	_ =	strace s18  }
0x93: {  	s3 =	sld [smem:$0x3FFC];
	_ =	sdelay $0x3  }
0x94: {  	_ =	strace s3  }
0x95: {  	s3 =	sld [smem:$0x3FFD];
	_ =	sdelay $0x3  }
0x96: {  	_ =	strace s3  }
0x97: {  	_ =	strace $0x8FFFFFFF  }
0x98: {  	s19 =	sld [smem:$0x3FDB];
	_ =	sdelay $0x1  }
0x99: {  	s4 =	simm.s32 $_scs_section_size  }
0x9a: {  	s5 =	simm.s32 $_size__tile_overlayer_lowered;
	s6 =	simm.s32 $_tile_overlayer_lowered  }
0x9b: {  	s22 =	simm.s32 $0x1BFF;
	s21 =	sshll.u32 s6, $0x1;
	s3 =	sadd.s32 s4, s19  }
0x9c: {  	s7 =	simm.s32 $0x0;
	s20 =	sshll.u32 s5, $0x1;
	s5 =	sadd.s32 s21, s3  }
0x9d: {  	[timem:s7], [sflag:s22] =	dma.local [hbm:s5], s20  }
0x9e: {  	_ =	swait.ge [sflag:s22], s20  }
0x9f: {  	s4 =	ssub.s32 $0x0, s20;
	[sflag:s22] =	ssyncset.done $0x0  }
0xa0: {  	[sflag:s22] =	ssyncadd.s32 s4;
	_ =	sdelay $0x1  }
0xa1: {  	s23 =	simm.s32 $0x1B8B  }
0xa2: {  	_ =	swait.ge [sflag:s23], $0x1  }
0xa3: {  	[sflag:s23] =	ssyncset.done $0x0  }
0xa4: {  	s25 =	simm.s32 $0x1B8E;
	s24 =	sld [smem:$0x3FFE];
	[sflag:s23] =	ssyncadd.s32 $0xFFFFFFFF  }
0xa5: {  	s26 =	simm.s32 $execute0_lowered;
	[smem:$0x3FD2] =	sst s25  }
0xa6: {  	s5 =	sshll.u32 s26, $0x1;
	_ =	strace $0x80000046;
	[dreg:$0x1] =	wrdreg $0xFFFFFFFF  }
0xa7: {  	s28 =	simm.s32 $_size_execute0_lowered;
	s3 =	sadd.s32 s3, s5;
	[dreg:$0x0] =	wrdreg $0x0  }
0xa8: {  	s5 =	sshll.u32 s28, $0x1;
	[dreg:$0x2] =	wrdreg s3  }
0xa9: {  	[dreg:$0x3] =	wrdreg s5  }
0xaa: {  	[dreg:$0x4] =	wrdreg $0xC0  }
0xab: {  	_ =	task [dreg:s7], $0x5FFFF  }
0xac: {  	[dreg:$0x1] =	wrdreg $0xFFFFFFFF  }
0xad: {  	[dreg:$0x0] =	wrdreg $0x60  }
0xae: {  	[dreg:$0x2] =	wrdreg s24  }
0xaf: {  	[dreg:$0x3] =	wrdreg s2  }
0xb0: {  	[dreg:$0x4] =	wrdreg $0x9  }
0xb1: {  	_ =	task.clear_ibuf [dreg:s7], $0x5FFFF;
	_ =	strace $0x90000046  }
0xb2: {  	s29 =	simm.s32 $0x9;
	_ =	strace $0x80000048  }
0xb3: {  	_ =	swait.ge [sflag:s29], $0x1  }
0xb4: {  	[sflag:s29] =	ssyncadd.s32 $0xFFFFFFFF  }
0xb5: {  	_ =	strace $0x90000048  }
0xb6: {  	_ =	sfence  }
0xb7: {  	s30 =	sld [smem:$0x0];
	_ =	sdelay $0x2  }
0xb8: {  	s31 =	sshll.u32 s1, $0xD;
	s1 =	sshrl.u32 s1, $0x2  }
0xb9: {  	s3 =	sand.u32 $0x4000, s31;
	s1 =	sadd.s32 s1, s30  }
0xba: {  	s0 =	sor.u32 s3, s0;
	s1 =	sshll.u32 s1, $0x11  }
0xbb: {  	s0 =	sor.u32 s1, s0  }
0xbc: {  	s0 =	sadd.s32 $0x8F2B, s0  }
0xbd: {  	[sflag:s0] =	ssyncadd.remote.s32 $0x1  }
0xbe: {  	_ =	sfence.sel $0xFFFF  }
0xbf: {  	[dreg:$0x0] =	wrdreg $0xFFFFFFFF;
	(pc) =	sbr.abs _section_cstart, $3  }
0xc0: {  	[dreg:$0x1] =	wrdreg $0xFFFFFFFF  }
0xc1: {  	_ =	task.clear_ibuf [dreg:s7], $0x2FFFF;
	_ =	strace $0x9FFFFFFF  }
0xc2: {  	(tm) =	ssettm $0x7FFFFFFF  }
0xc3: {  	_ =	shalt  }
tec
execute0_lowered:
.L_overlay_start_1:
0x0: {  	(tag) =	ssettag $0x1  }
0x1: {  	s5 =	rddreg [dreg:$0x0]  }
0x2: {  	s1 =	rddreg [dreg:$0x1]  }
0x3: {  	s0 =	rddreg [dreg:$0x2];
	s2 =	simm.s32 $0x0;
	s3 =	srdreg.scid  }
0x4: {  	s10 =	simm.s32 $0x1;
	s11 =	simm.s32 $0x19640;
	s12 =	simm.s32 $0x0  }
0x5: {  	[smem:$0x7FF] =	sst s2;
	s6 =	sand.u32 $0x1, s3;
	s4 =	sadd.s32 $0xA00, s5  }
0x6: {  	s3 =	stileid.u32;
	s5 =	sadd.s32 $0xF42E00, s5;
	s7 =	ssub.s32 $0x2, s6  }
0x7: {  	s9 =	sshll.u32 s3, $0x8;
	s6 =	sshll.u32 s6, $0x7;
	s8 =	sshrl.u32 s7, $0x1  }
0x8: {  	_ =	strace $0x80000047;
	s6 =	sor.u32 s6, s9;
	s7 =	ssub.s32 s7, s8  }
0x9: {  	s9 =	simm.s32 $0x640;
	s8 =	simm.s32 $0x2;
	s7 =	smax.u32 s7, $0x1  }
.LBB2_1:
0xa: {  	s13 =	simm.s32 $0x0  }
.LBB2_2:
0xb: {  	s14 =	sshll.u32 s13, $0x3  }
0xc: {  	s14 =	sadd.s32 s6, s14  }
0xd: {  	s15 =	smul.u32 $0x19, s14;
	_ =	sdelay $0x1  }
0xe: {  	s16 =	simm.s32 $0x0;
	s15 =	sadd.s32 s4, s15  }
0xf: {  	[tilespmem:s16], [sflag:$0x2] =	stream.linear.gather [hbm4b:s15+s16], $0x640, $0x38;
	[tilespmem:$0x19840] =	vst v63  }
0x10: {  	_ =	swait.ge [sflag:s8], $0x640  }
0x11: {  	[sflag:s8] =	ssyncset.done $0x0  }
0x12: {  	[sflag:s8] =	ssyncadd.s32 $0xFFFFF9C0  }
0x13: {  	[tilespmem:s9], [sflag:$0x1] =	stream.indirect.gather [hbm4b:s5+s9], $0x40, s16, s9, $0xb8;
	[tilespmem:$0x19840] =	vst v63  }
0x14: {  	_ =	swait.ge [sflag:s10], $0x19000  }
0x15: {  	[sflag:s10] =	ssyncset.done $0x0  }
0x16: {  	v18 =	vimm.f32 $0.0e+00;
	[sflag:s10] =	ssyncadd.s32 $0xFFFE7000  }
0x17: {  	[tilespmem:$0x19640] =	vst v18  }
0x18: {  	[tilespmem:$0x19650] =	vst v18  }
0x19: {  	[tilespmem:$0x19660] =	vst v18  }
0x1a: {  	[tilespmem:$0x19670] =	vst v18  }
0x1b: {  	[tilespmem:$0x19680] =	vst v18  }
0x1c: {  	[tilespmem:$0x19690] =	vst v18  }
0x1d: {  	[tilespmem:$0x196A0] =	vst v18  }
0x1e: {  	[tilespmem:$0x196B0] =	vst v18  }
0x1f: {  	[tilespmem:$0x196C0] =	vst v18  }
0x20: {  	[tilespmem:$0x196D0] =	vst v18  }
0x21: {  	[tilespmem:$0x196E0] =	vst v18  }
0x22: {  	[tilespmem:$0x196F0] =	vst v18  }
0x23: {  	[tilespmem:$0x19700] =	vst v18  }
0x24: {  	[tilespmem:$0x19710] =	vst v18  }
0x25: {  	[tilespmem:$0x19720] =	vst v18  }
0x26: {  	[tilespmem:$0x19730] =	vst v18  }
0x27: {  	[tilespmem:$0x19740] =	vst v18  }
0x28: {  	[tilespmem:$0x19750] =	vst v18  }
0x29: {  	[tilespmem:$0x19760] =	vst v18  }
0x2a: {  	[tilespmem:$0x19770] =	vst v18  }
0x2b: {  	[tilespmem:$0x19780] =	vst v18  }
0x2c: {  	v31 =	vimm.f32 $0.0e+00;
	[tilespmem:$0x19790] =	vst v18  }
0x2d: {  	v30 =	vimm.f32 $0.0e+00;
	v29 =	vimm.f32 $0.0e+00;
	v28 =	vimm.f32 $0.0e+00;
	[tilespmem:$0x197A0] =	vst v18  }
0x2e: {  	v27 =	vimm.f32 $0.0e+00;
	v26 =	vimm.f32 $0.0e+00;
	v25 =	vimm.f32 $0.0e+00;
	[tilespmem:$0x197B0] =	vst v18  }
0x2f: {  	v24 =	vimm.f32 $0.0e+00;
	v23 =	vimm.f32 $0.0e+00;
	v22 =	vimm.f32 $0.0e+00;
	[tilespmem:$0x197C0] =	vst v18  }
0x30: {  	v21 =	vimm.f32 $0.0e+00;
	v20 =	vimm.f32 $0.0e+00;
	v19 =	vimm.f32 $0.0e+00;
	[tilespmem:$0x197D0] =	vst v18  }
0x31: {  	v17 =	vimm.f32 $0.0e+00;
	v16 =	vimm.f32 $0.0e+00;
	v15 =	vimm.f32 $0.0e+00;
	[tilespmem:$0x197E0] =	vst v18  }
0x32: {  	v14 =	vimm.f32 $0.0e+00;
	v13 =	vimm.f32 $0.0e+00;
	v12 =	vimm.f32 $0.0e+00;
	[tilespmem:$0x197F0] =	vst v18  }
0x33: {  	v11 =	vimm.f32 $0.0e+00;
	v10 =	vimm.f32 $0.0e+00;
	v9 =	vimm.f32 $0.0e+00;
	[tilespmem:$0x19800] =	vst v18  }
0x34: {  	v8 =	vimm.f32 $0.0e+00;
	v7 =	vimm.f32 $0.0e+00;
	v6 =	vimm.f32 $0.0e+00;
	[tilespmem:$0x19810] =	vst v18  }
0x35: {  	v5 =	vimm.f32 $0.0e+00;
	v4 =	vimm.f32 $0.0e+00;
	v2 =	vimm.f32 $0.0e+00;
	[tilespmem:$0x19820] =	vst v18  }
0x36: {  	v3 =	vimm.f32 $0.0e+00;
	v1 =	vimm.f32 $0.0e+00;
	v0 =	vimm.f32 $0.0e+00;
	s15 =	simm.s32 $0x0;
	s16 =	simm.s32 $0x100;
	[tilespmem:$0x19830] =	vst v18  }
.LBB2_3:
0x37: {  	p0 =	sne.s32 s16, $0xC700;
	v32 =	vld [tilespmem:s15+$0x640];
	_ =	sdelay $0x4  }
0x38: {  	v18 =	vadd.f32 v32, v18;
	_ =	sdelay $0x1  }
0x39: {  	[tilespmem:$0x19640] =	vst v18  }
0x3a: {  	v32 =	vld [tilespmem:s15+$0x650];
	_ =	sdelay $0x4  }
0x3b: {  	v31 =	vadd.f32 v32, v31;
	_ =	sdelay $0x1  }
0x3c: {  	[tilespmem:$0x19650] =	vst v31  }
0x3d: {  	v32 =	vld [tilespmem:s15+$0x660];
	_ =	sdelay $0x4  }
0x3e: {  	v30 =	vadd.f32 v32, v30;
	_ =	sdelay $0x1  }
0x3f: {  	[tilespmem:$0x19660] =	vst v30  }
0x40: {  	v32 =	vld [tilespmem:s15+$0x670];
	_ =	sdelay $0x4  }
0x41: {  	v29 =	vadd.f32 v32, v29;
	_ =	sdelay $0x1  }
0x42: {  	[tilespmem:$0x19670] =	vst v29  }
0x43: {  	v32 =	vld [tilespmem:s15+$0x3840];
	_ =	sdelay $0x4  }
0x44: {  	v28 =	vadd.f32 v32, v28;
	_ =	sdelay $0x1  }
0x45: {  	[tilespmem:$0x19680] =	vst v28  }
0x46: {  	v32 =	vld [tilespmem:s15+$0x3850];
	_ =	sdelay $0x4  }
0x47: {  	v27 =	vadd.f32 v32, v27;
	_ =	sdelay $0x1  }
0x48: {  	[tilespmem:$0x19690] =	vst v27  }
0x49: {  	v32 =	vld [tilespmem:s15+$0x3860];
	_ =	sdelay $0x4  }
0x4a: {  	v26 =	vadd.f32 v32, v26;
	_ =	sdelay $0x1  }
0x4b: {  	[tilespmem:$0x196A0] =	vst v26  }
0x4c: {  	v32 =	vld [tilespmem:s15+$0x3870];
	_ =	sdelay $0x4  }
0x4d: {  	v25 =	vadd.f32 v32, v25;
	_ =	sdelay $0x1  }
0x4e: {  	[tilespmem:$0x196B0] =	vst v25  }
0x4f: {  	v32 =	vld [tilespmem:s15+$0x6A40];
	_ =	sdelay $0x4  }
0x50: {  	v24 =	vadd.f32 v32, v24;
	_ =	sdelay $0x1  }
0x51: {  	[tilespmem:$0x196C0] =	vst v24  }
0x52: {  	v32 =	vld [tilespmem:s15+$0x6A50];
	_ =	sdelay $0x4  }
0x53: {  	v23 =	vadd.f32 v32, v23;
	_ =	sdelay $0x1  }
0x54: {  	[tilespmem:$0x196D0] =	vst v23  }
0x55: {  	v32 =	vld [tilespmem:s15+$0x6A60];
	_ =	sdelay $0x4  }
0x56: {  	v22 =	vadd.f32 v32, v22;
	_ =	sdelay $0x1  }
0x57: {  	[tilespmem:$0x196E0] =	vst v22  }
0x58: {  	v32 =	vld [tilespmem:s15+$0x6A70];
	_ =	sdelay $0x4  }
0x59: {  	v21 =	vadd.f32 v32, v21;
	_ =	sdelay $0x1  }
0x5a: {  	[tilespmem:$0x196F0] =	vst v21  }
0x5b: {  	v32 =	vld [tilespmem:s15+$0x9C40];
	_ =	sdelay $0x4  }
0x5c: {  	v20 =	vadd.f32 v32, v20;
	_ =	sdelay $0x1  }
0x5d: {  	[tilespmem:$0x19700] =	vst v20  }
0x5e: {  	v32 =	vld [tilespmem:s15+$0x9C50];
	_ =	sdelay $0x4  }
0x5f: {  	v19 =	vadd.f32 v32, v19;
	_ =	sdelay $0x1  }
0x60: {  	[tilespmem:$0x19710] =	vst v19  }
0x61: {  	v32 =	vld [tilespmem:s15+$0x9C60];
	_ =	sdelay $0x4  }
0x62: {  	v17 =	vadd.f32 v32, v17;
	_ =	sdelay $0x1  }
0x63: {  	[tilespmem:$0x19720] =	vst v17  }
0x64: {  	v32 =	vld [tilespmem:s15+$0x9C70];
	_ =	sdelay $0x4  }
0x65: {  	v16 =	vadd.f32 v32, v16;
	_ =	sdelay $0x1  }
0x66: {  	[tilespmem:$0x19730] =	vst v16  }
0x67: {  	v32 =	vld [tilespmem:s15+$0xCE40];
	_ =	sdelay $0x4  }
0x68: {  	v15 =	vadd.f32 v32, v15;
	_ =	sdelay $0x1  }
0x69: {  	[tilespmem:$0x19740] =	vst v15  }
0x6a: {  	v32 =	vld [tilespmem:s15+$0xCE50];
	_ =	sdelay $0x4  }
0x6b: {  	v14 =	vadd.f32 v32, v14;
	_ =	sdelay $0x1  }
0x6c: {  	[tilespmem:$0x19750] =	vst v14  }
0x6d: {  	v32 =	vld [tilespmem:s15+$0xCE60];
	_ =	sdelay $0x4  }
0x6e: {  	v13 =	vadd.f32 v32, v13;
	_ =	sdelay $0x1  }
0x6f: {  	[tilespmem:$0x19760] =	vst v13  }
0x70: {  	v32 =	vld [tilespmem:s15+$0xCE70];
	_ =	sdelay $0x4  }
0x71: {  	v12 =	vadd.f32 v32, v12;
	_ =	sdelay $0x1  }
0x72: {  	[tilespmem:$0x19770] =	vst v12  }
0x73: {  	v32 =	vld [tilespmem:s15+$0x10040];
	_ =	sdelay $0x4  }
0x74: {  	v11 =	vadd.f32 v32, v11;
	_ =	sdelay $0x1  }
0x75: {  	[tilespmem:$0x19780] =	vst v11  }
0x76: {  	v32 =	vld [tilespmem:s15+$0x10050];
	_ =	sdelay $0x4  }
0x77: {  	v10 =	vadd.f32 v32, v10;
	_ =	sdelay $0x1  }
0x78: {  	[tilespmem:$0x19790] =	vst v10  }
0x79: {  	v32 =	vld [tilespmem:s15+$0x10060];
	_ =	sdelay $0x4  }
0x7a: {  	v9 =	vadd.f32 v32, v9;
	_ =	sdelay $0x1  }
0x7b: {  	[tilespmem:$0x197A0] =	vst v9  }
0x7c: {  	v32 =	vld [tilespmem:s15+$0x10070];
	_ =	sdelay $0x4  }
0x7d: {  	v8 =	vadd.f32 v32, v8;
	_ =	sdelay $0x1  }
0x7e: {  	[tilespmem:$0x197B0] =	vst v8  }
0x7f: {  	v32 =	vld [tilespmem:s15+$0x13240];
	_ =	sdelay $0x4  }
0x80: {  	v7 =	vadd.f32 v32, v7;
	_ =	sdelay $0x1  }
0x81: {  	[tilespmem:$0x197C0] =	vst v7  }
0x82: {  	v32 =	vld [tilespmem:s15+$0x13250];
	_ =	sdelay $0x4  }
0x83: {  	v6 =	vadd.f32 v32, v6;
	_ =	sdelay $0x1  }
0x84: {  	[tilespmem:$0x197D0] =	vst v6  }
0x85: {  	v32 =	vld [tilespmem:s15+$0x13260];
	_ =	sdelay $0x4  }
0x86: {  	v5 =	vadd.f32 v32, v5;
	_ =	sdelay $0x1  }
0x87: {  	[tilespmem:$0x197E0] =	vst v5  }
0x88: {  	v32 =	vld [tilespmem:s15+$0x13270];
	_ =	sdelay $0x4  }
0x89: {  	v4 =	vadd.f32 v32, v4;
	_ =	sdelay $0x1  }
0x8a: {  	[tilespmem:$0x197F0] =	vst v4  }
0x8b: {  	v32 =	vld [tilespmem:s15+$0x16440];
	_ =	sdelay $0x4  }
0x8c: {  	v2 =	vadd.f32 v32, v2;
	_ =	sdelay $0x1  }
0x8d: {  	[tilespmem:$0x19800] =	vst v2  }
0x8e: {  	v32 =	vld [tilespmem:s15+$0x16450];
	_ =	sdelay $0x4  }
0x8f: {  	v3 =	vadd.f32 v32, v3;
	_ =	sdelay $0x1  }
0x90: {  	[tilespmem:$0x19810] =	vst v3  }
0x91: {  	v32 =	vld [tilespmem:s15+$0x16460];
	_ =	sdelay $0x4  }
0x92: {  	v1 =	vadd.f32 v32, v1;
	_ =	sdelay $0x1  }
0x93: {  	[tilespmem:$0x19820] =	vst v1  }
0x94: {  	v32 =	vld [tilespmem:s15+$0x16470];
	_ =	sdelay $0x2  }
.Ltmp0:
0x95: {  	(pc) =	sbr.rel @p0 .LBB2_3-.Ltmp0, $3  }
0x96: {  	_ = 	snop  }
0x97: {  	v0 =	vadd.f32 v32, v0;
	_ =	sdelay $0x1  }
0x98: {  	s15 =	sshra.s32 s16, $0x2;
	s16 =	sadd.s32 $0x100, s16;
	[tilespmem:$0x19830] =	vst v0  }
0x99: {  	v32 =	vld [tilespmem:s15+$0x640];
	_ =	sdelay $0x4  }
0x9a: {  	v18 =	vadd.f32 v32, v18;
	_ =	sdelay $0x1  }
0x9b: {  	[tilespmem:$0x19640] =	vst v18  }
0x9c: {  	v18 =	vld [tilespmem:s15+$0x650];
	_ =	sdelay $0x4  }
0x9d: {  	v18 =	vadd.f32 v18, v31;
	_ =	sdelay $0x1  }
0x9e: {  	[tilespmem:$0x19650] =	vst v18  }
0x9f: {  	v18 =	vld [tilespmem:s15+$0x660];
	_ =	sdelay $0x4  }
0xa0: {  	v18 =	vadd.f32 v18, v30;
	_ =	sdelay $0x1  }
0xa1: {  	[tilespmem:$0x19660] =	vst v18  }
0xa2: {  	v18 =	vld [tilespmem:s15+$0x670];
	_ =	sdelay $0x4  }
0xa3: {  	v18 =	vadd.f32 v18, v29;
	_ =	sdelay $0x1  }
0xa4: {  	[tilespmem:$0x19670] =	vst v18  }
0xa5: {  	v18 =	vld [tilespmem:s15+$0x3840];
	_ =	sdelay $0x4  }
0xa6: {  	v18 =	vadd.f32 v18, v28;
	_ =	sdelay $0x1  }
0xa7: {  	[tilespmem:$0x19680] =	vst v18  }
0xa8: {  	v18 =	vld [tilespmem:s15+$0x3850];
	_ =	sdelay $0x4  }
0xa9: {  	v18 =	vadd.f32 v18, v27;
	_ =	sdelay $0x1  }
0xaa: {  	[tilespmem:$0x19690] =	vst v18  }
0xab: {  	v18 =	vld [tilespmem:s15+$0x3860];
	_ =	sdelay $0x4  }
0xac: {  	v18 =	vadd.f32 v18, v26;
	_ =	sdelay $0x1  }
0xad: {  	[tilespmem:$0x196A0] =	vst v18  }
0xae: {  	v18 =	vld [tilespmem:s15+$0x3870];
	_ =	sdelay $0x4  }
0xaf: {  	v18 =	vadd.f32 v18, v25;
	_ =	sdelay $0x1  }
0xb0: {  	[tilespmem:$0x196B0] =	vst v18  }
0xb1: {  	v18 =	vld [tilespmem:s15+$0x6A40];
	_ =	sdelay $0x4  }
0xb2: {  	v18 =	vadd.f32 v18, v24;
	_ =	sdelay $0x1  }
0xb3: {  	[tilespmem:$0x196C0] =	vst v18  }
0xb4: {  	v62 =	vld [tilespmem:s15+$0x6A50];
	_ =	sdelay $0x4  }
0xb5: {  	v23 =	vadd.f32 v62, v23;
	_ =	sdelay $0x1  }
0xb6: {  	[tilespmem:$0x196D0] =	vst v23  }
0xb7: {  	v63 =	vld [tilespmem:s15+$0x6A60];
	_ =	sdelay $0x4  }
0xb8: {  	v22 =	vadd.f32 v63, v22;
	_ =	sdelay $0x1  }
0xb9: {  	[tilespmem:$0x196E0] =	vst v22  }
0xba: {  	v28 =	vld [tilespmem:s15+$0x6A70];
	_ =	sdelay $0x4  }
0xbb: {  	v21 =	vadd.f32 v28, v21;
	_ =	sdelay $0x1  }
0xbc: {  	[tilespmem:$0x196F0] =	vst v21  }
0xbd: {  	v29 =	vld [tilespmem:s15+$0x9C40];
	_ =	sdelay $0x4  }
0xbe: {  	v20 =	vadd.f32 v29, v20;
	_ =	sdelay $0x1  }
0xbf: {  	[tilespmem:$0x19700] =	vst v20  }
0xc0: {  	v30 =	vld [tilespmem:s15+$0x9C50];
	_ =	sdelay $0x4  }
0xc1: {  	v19 =	vadd.f32 v30, v19;
	_ =	sdelay $0x1  }
0xc2: {  	[tilespmem:$0x19710] =	vst v19  }
0xc3: {  	v31 =	vld [tilespmem:s15+$0x9C60];
	_ =	sdelay $0x4  }
0xc4: {  	v17 =	vadd.f32 v31, v17;
	_ =	sdelay $0x1  }
0xc5: {  	[tilespmem:$0x19720] =	vst v17  }
0xc6: {  	v32 =	vld [tilespmem:s15+$0x9C70];
	_ =	sdelay $0x4  }
0xc7: {  	v16 =	vadd.f32 v32, v16;
	_ =	sdelay $0x1  }
0xc8: {  	[tilespmem:$0x19730] =	vst v16  }
0xc9: {  	v33 =	vld [tilespmem:s15+$0xCE40];
	_ =	sdelay $0x4  }
0xca: {  	v15 =	vadd.f32 v33, v15;
	_ =	sdelay $0x1  }
0xcb: {  	[tilespmem:$0x19740] =	vst v15  }
0xcc: {  	v34 =	vld [tilespmem:s15+$0xCE50];
	_ =	sdelay $0x4  }
0xcd: {  	v14 =	vadd.f32 v34, v14;
	_ =	sdelay $0x1  }
0xce: {  	[tilespmem:$0x19750] =	vst v14  }
0xcf: {  	v35 =	vld [tilespmem:s15+$0xCE60];
	_ =	sdelay $0x4  }
0xd0: {  	v13 =	vadd.f32 v35, v13;
	_ =	sdelay $0x1  }
0xd1: {  	[tilespmem:$0x19760] =	vst v13  }
0xd2: {  	v36 =	vld [tilespmem:s15+$0xCE70];
	_ =	sdelay $0x4  }
0xd3: {  	v12 =	vadd.f32 v36, v12;
	_ =	sdelay $0x1  }
0xd4: {  	[tilespmem:$0x19770] =	vst v12  }
0xd5: {  	v37 =	vld [tilespmem:s15+$0x10040];
	_ =	sdelay $0x4  }
0xd6: {  	v11 =	vadd.f32 v37, v11;
	_ =	sdelay $0x1  }
0xd7: {  	[tilespmem:$0x19780] =	vst v11  }
0xd8: {  	v38 =	vld [tilespmem:s15+$0x10050];
	_ =	sdelay $0x4  }
0xd9: {  	v10 =	vadd.f32 v38, v10;
	_ =	sdelay $0x1  }
0xda: {  	[tilespmem:$0x19790] =	vst v10  }
0xdb: {  	v39 =	vld [tilespmem:s15+$0x10060];
	_ =	sdelay $0x4  }
0xdc: {  	v9 =	vadd.f32 v39, v9;
	_ =	sdelay $0x1  }
0xdd: {  	[tilespmem:$0x197A0] =	vst v9  }
0xde: {  	v40 =	vld [tilespmem:s15+$0x10070];
	_ =	sdelay $0x4  }
0xdf: {  	v8 =	vadd.f32 v40, v8;
	_ =	sdelay $0x1  }
0xe0: {  	[tilespmem:$0x197B0] =	vst v8  }
0xe1: {  	v41 =	vld [tilespmem:s15+$0x13240];
	_ =	sdelay $0x4  }
0xe2: {  	v7 =	vadd.f32 v41, v7;
	_ =	sdelay $0x1  }
0xe3: {  	[tilespmem:$0x197C0] =	vst v7  }
0xe4: {  	v42 =	vld [tilespmem:s15+$0x13250];
	_ =	sdelay $0x4  }
0xe5: {  	v6 =	vadd.f32 v42, v6;
	_ =	sdelay $0x1  }
0xe6: {  	[tilespmem:$0x197D0] =	vst v6  }
0xe7: {  	v43 =	vld [tilespmem:s15+$0x13260];
	_ =	sdelay $0x4  }
0xe8: {  	v5 =	vadd.f32 v43, v5;
	_ =	sdelay $0x1  }
0xe9: {  	[tilespmem:$0x197E0] =	vst v5  }
0xea: {  	v44 =	vld [tilespmem:s15+$0x13270];
	_ =	sdelay $0x4  }
0xeb: {  	v4 =	vadd.f32 v44, v4;
	_ =	sdelay $0x1  }
0xec: {  	[tilespmem:$0x197F0] =	vst v4  }
0xed: {  	v45 =	vld [tilespmem:s15+$0x16440];
	_ =	sdelay $0x4  }
0xee: {  	v2 =	vadd.f32 v45, v2;
	_ =	sdelay $0x1  }
0xef: {  	[tilespmem:$0x19800] =	vst v2  }
0xf0: {  	v46 =	vld [tilespmem:s15+$0x16450];
	_ =	sdelay $0x4  }
0xf1: {  	v3 =	vadd.f32 v46, v3;
	_ =	sdelay $0x1  }
0xf2: {  	v49 =	vld [tilespmem:$0x19640];
	[tilespmem:$0x19810] =	vst v3  }
0xf3: {  	v47 =	vld [tilespmem:s15+$0x16460]  }
0xf4: {  	v50 =	vld [tilespmem:$0x19650]  }
0xf5: {  	v51 =	vld [tilespmem:$0x19660]  }
0xf6: {  	v52 =	vld [tilespmem:$0x19670]  }
0xf7: {  	v53 =	vld [tilespmem:$0x19680]  }
0xf8: {  	v54 =	vld [tilespmem:$0x19690];
	v1 =	vadd.f32 v47, v1  }
0xf9: {  	v55 =	vld [tilespmem:$0x196A0];
	v25 =	vmul.f32 $4.999999890e-03, v49  }
0xfa: {  	v26 =	vmul.f32 $4.999999890e-03, v50;
	v57 =	vld [tilespmem:$0x196B0];
	[tilespmem:$0x19820] =	vst v1  }
0xfb: {  	v56 =	vmul.f32 $4.999999890e-03, v51;
	v48 =	vld [tilespmem:s15+$0x16470];
	[tilespmem:$0x19640] =	vst v25  }
0xfc: {  	v58 =	vmul.f32 $4.999999890e-03, v52;
	[tilespmem:$0x19650] =	vst v26  }
0xfd: {  	v24 =	vmul.f32 $4.999999890e-03, v53;
	[tilespmem:$0x19660] =	vst v56  }
0xfe: {  	v59 =	vmul.f32 $4.999999890e-03, v54;
	[tilespmem:$0x19670] =	vst v58  }
0xff: {  	v60 =	vmul.f32 $4.999999890e-03, v55;
	[tilespmem:$0x19680] =	vst v24  }
0x100: {  	v61 =	vmul.f32 $4.999999890e-03, v57;
	[tilespmem:$0x19690] =	vst v59  }
0x101: {  	v18 =	vmul.f32 $4.999999890e-03, v18;
	[tilespmem:$0x196A0] =	vst v60  }
0x102: {  	v23 =	vmul.f32 $4.999999890e-03, v23;
	[tilespmem:$0x196B0] =	vst v61  }
0x103: {  	v62 =	vmul.f32 $4.999999890e-03, v22;
	[tilespmem:$0x196C0] =	vst v18  }
0x104: {  	v21 =	vmul.f32 $4.999999890e-03, v21;
	[tilespmem:$0x196D0] =	vst v23  }
0x105: {  	v63 =	vmul.f32 $4.999999890e-03, v20;
	[tilespmem:$0x196E0] =	vst v62  }
0x106: {  	v19 =	vmul.f32 $4.999999890e-03, v19;
	[tilespmem:$0x196F0] =	vst v21  }
0x107: {  	v17 =	vmul.f32 $4.999999890e-03, v17;
	[tilespmem:$0x19700] =	vst v63  }
0x108: {  	v16 =	vmul.f32 $4.999999890e-03, v16;
	[tilespmem:$0x19710] =	vst v19  }
0x109: {  	v15 =	vmul.f32 $4.999999890e-03, v15;
	[tilespmem:$0x19720] =	vst v17  }
0x10a: {  	v14 =	vmul.f32 $4.999999890e-03, v14;
	[tilespmem:$0x19730] =	vst v16  }
0x10b: {  	v13 =	vmul.f32 $4.999999890e-03, v13;
	[tilespmem:$0x19740] =	vst v15  }
0x10c: {  	v12 =	vmul.f32 $4.999999890e-03, v12;
	[tilespmem:$0x19750] =	vst v14  }
0x10d: {  	v11 =	vmul.f32 $4.999999890e-03, v11;
	[tilespmem:$0x19760] =	vst v13  }
0x10e: {  	v10 =	vmul.f32 $4.999999890e-03, v10;
	[tilespmem:$0x19770] =	vst v12  }
0x10f: {  	v9 =	vmul.f32 $4.999999890e-03, v9;
	[tilespmem:$0x19780] =	vst v11  }
0x110: {  	v8 =	vmul.f32 $4.999999890e-03, v8;
	[tilespmem:$0x19790] =	vst v10  }
0x111: {  	v7 =	vmul.f32 $4.999999890e-03, v7;
	[tilespmem:$0x197A0] =	vst v9  }
0x112: {  	v6 =	vmul.f32 $4.999999890e-03, v6;
	[tilespmem:$0x197B0] =	vst v8  }
0x113: {  	v5 =	vmul.f32 $4.999999890e-03, v5;
	[tilespmem:$0x197C0] =	vst v7  }
0x114: {  	v4 =	vmul.f32 $4.999999890e-03, v4;
	[tilespmem:$0x197D0] =	vst v6  }
0x115: {  	v2 =	vmul.f32 $4.999999890e-03, v2;
	[tilespmem:$0x197E0] =	vst v5  }
0x116: {  	v3 =	vmul.f32 $4.999999890e-03, v3;
	[tilespmem:$0x197F0] =	vst v4  }
0x117: {  	[tilespmem:$0x19800] =	vst v2;
	v0 =	vadd.f32 v48, v0  }
0x118: {  	v1 =	vmul.f32 $4.999999890e-03, v1;
	[tilespmem:$0x19810] =	vst v3  }
0x119: {  	s13 =	sadd.s32 $0x1, s13;
	[tilespmem:$0x19830] =	vst v0;
	v0 =	vmul.f32 $4.999999890e-03, v0  }
0x11a: {  	s14 =	sshll.u32 s14, $0x3;
	p0 =	sne.s32 s13, $0x10;
	[tilespmem:$0x19820] =	vst v1  }
.Ltmp1:
0x11b: {  	s14 =	sadd.s32 s1, s14;
	[tilespmem:$0x19830] =	vst v0;
	(pc) =	sbr.rel @p0 .LBB2_2-.Ltmp1, $4  }
0x11c: {  	[hbm4b:s14+s2] =	stream.linear.scatter [tilespmem:s11], [sflag:$0x2], $0x200, $0x38;
	[tilespmem:$0x19840] =	vst v63  }
0x11d: {  	_ =	swait.ge [sflag:s8], $0x200  }
0x11e: {  	[sflag:s8] =	ssyncset.done $0x0  }
0x11f: {  	[sflag:s8] =	ssyncadd.s32 $0xFFFFFE00  }
0x120: {  	s12 =	sadd.s32 $0x1, s12  }
0x121: {  	p0 =	sne.s32 s12, s7  }
.Ltmp2:
0x122: {  	_ = 	snop;
	(pc) =	sbr.rel @p0 .LBB2_1-.Ltmp2, $1  }
0x123: {  	_ =	sdelay $0x3  }
0x124: {  	_ =	sfence.sel $0x180000  }
0x125: {  	[bflag:$0x0] =	sbarrier.arrive $0xFFFF  }
0x126: {  	p0 =	sne.s32 s3, $0x0;
	_ =	strace $0x90000047  }
0x127: {  	s0 =	sadd.s32 @!p0 $0x100000, s0;
	[bflag:$0x2] =	sbarrier.arrive $0xFFFF  }
0x128: {  	[sflag:s0] =	ssyncadd.tile.s32 @!p0 $0x1;
	_ =	shalt  }
.Lfunc_end2:
_tile_overlayer_lowered:
.L_overlay_start_2:
0x129: {  	(tag) =	ssettag $0x2  }
0x12a: {  	s0 =	rddreg [dreg:$0x0];
	s2 =	stileid.u32  }
0x12b: {  	s1 =	rddreg [dreg:$0x1];
	p0 =	sne.s32 s2, $0x0  }
0x12c: {  	s3 =	rddreg [dreg:$0x2];
	[bflag:$0x3] =	sbarrier.arrive $0xFFFF;
	s2 =	simm.s32 @!p0 $0x1C02  }
0x12d: {  	[timem:s3], [sflag:s2] =	dma.local @!p0 [hbm:s0], s1  }
0x12e: {  	s0 =	simm.s32 @!p0 $0x2  }
0x12f: {  	_ =	swait.ge @!p0 [sflag:s0], s1  }
0x130: {  	s1 =	ssub.s32 @!p0 $0x0, s1;
	[sflag:s0] =	ssyncset.done @!p0 $0x0  }
0x131: {  	[sflag:s0] =	ssyncadd.s32 @!p0 s1  }
0x132: {  	[bflag:$0x3] =	sbarrier.arrive $0xFFFF  }
0x133: {  	_ =	shalt  }

</sc_bundles>
